<compile_context>
chip_gen: v7x
topology: tpu7x:2x2x1
jax: 0.10.2.dev20260603
libtpu: 0.0.44.dev20260713+nightly
codegen_flags: <defaults>
</compile_context>

<pallas_src>
import functools

import jax
import jax.numpy as jnp
from jax import lax
from jax.experimental import pallas as pl
from jax.experimental.pallas import tpu as pltpu
from jax.experimental.pallas import tpu_sc as plsc

N = 10000
E = 320000
D = 128

NC = 2
NS = 16
NW = NC * NS
C = 80
G = 25
NG = 5
NCH = NG * G
EPT = NCH * C
NACC = N
RPT = 640
RPT_LAST = N - (NS - 1) * RPT
DW = 128
BN = 1280
GRID = 8


def _mesh():
    return plsc.VectorSubcoreMesh(core_axis_name="c", subcore_axis_name="s",
                                  num_cores=NC, num_subcores=NS)


def _tile_ids():
    c = lax.axis_index("c")
    s = lax.axis_index("s")
    return c, s, s * NC + c


def _rowwise(fn):
    def run(s, r0):
        pl.when(s < NS - 1)(lambda: fn(r0, RPT))
        pl.when(s == NS - 1)(lambda: fn(r0, RPT_LAST))
    return run


@functools.cache
def _make_segsum():
    scratch = [
        pltpu.VMEM((2, G, C), jnp.int32),
        pltpu.VMEM((2, G, C), jnp.int32),
        pltpu.VMEM((3, C, D), jnp.float32),
        pltpu.VMEM_SHARED((NACC, D), jnp.float32),
        pltpu.SemaphoreType.DMA,
        pltpu.SemaphoreType.DMA,
    ]

    def body(y_hbm, src_hbm, dst_hbm, z_hbm, out_hbm,
             src_v, dst_v, rows_v, acc_sh, sem, sem_i):
        c, s, wid = _tile_ids()
        r0 = pl.multiple_of(s * RPT, 8)

        def init_rows(rr, nr):
            pltpu.sync_copy(z_hbm.at[pl.ds(0, nr)], acc_sh.at[pl.ds(rr, nr)])

        _rowwise(init_rows)(s, r0)
        pltpu.sync_copy(src_hbm.at[wid, 0], src_v.at[0])
        pltpu.sync_copy(dst_hbm.at[wid, 0], dst_v.at[0])
        pltpu.async_copy(src_hbm.at[wid, 1], src_v.at[1], sem_i)
        pltpu.async_copy(dst_hbm.at[wid, 1], dst_v.at[1], sem_i)
        plsc.subcore_barrier()
        pltpu.async_copy(y_hbm.at[src_v.at[0, 0]], rows_v.at[0], sem)
        pltpu.async_copy(y_hbm.at[src_v.at[0, 1]], rows_v.at[1], sem)

        def chunk(j, carry):
            g = lax.div(j, G)
            jj = lax.rem(j, G)
            b = lax.rem(g, 2)

            @pl.when((jj == 0) & (g >= 1) & (g < NG - 1))
            def _():
                pltpu.async_copy(src_hbm.at[wid, g + 1], src_v.at[1 - b],
                                 sem_i)
                pltpu.async_copy(dst_hbm.at[wid, g + 1], dst_v.at[1 - b],
                                 sem_i)

            @pl.when((jj == G - 2) & (g < NG - 1))
            def _():
                pltpu.make_async_copy(src_hbm.at[wid, g + 1],
                                      src_v.at[1 - b], sem_i).wait()
                pltpu.make_async_copy(dst_hbm.at[wid, g + 1],
                                      dst_v.at[1 - b], sem_i).wait()

            @pl.when(j + 2 < NCH)
            def _():
                j2 = j + 2
                b2 = lax.rem(lax.div(j2, G), 2)
                pltpu.async_copy(y_hbm.at[src_v.at[b2, lax.rem(j2, G)]],
                                 rows_v.at[lax.rem(j2, 3)], sem)

            p = lax.rem(j, 3)
            pltpu.make_async_copy(y_hbm.at[src_v.at[b, jj]],
                                  rows_v.at[p], sem).wait()
            pltpu.sync_copy(rows_v.at[p], acc_sh.at[dst_v.at[b, jj]],
                            add=True)
            return carry

        lax.fori_loop(0, NCH, chunk, 0)
        plsc.subcore_barrier()

        def write_rows(rr, nr):
            pltpu.sync_copy(acc_sh.at[pl.ds(rr, nr)],
                            out_hbm.at[c, pl.ds(rr, nr), :])

        _rowwise(write_rows)(s, r0)

    return pl.kernel(
        body,
        out_type=jax.ShapeDtypeStruct((NC, N, D), jnp.float32),
        mesh=_mesh(),
        scratch_types=scratch,
    )


def _segsum(*args):
    return _make_segsum()(*args)


@functools.cache
def _make_deg():
    SK = 8

    scratch = [
        pltpu.VMEM((NCH, C), jnp.int32),
        pltpu.VMEM((C, DW), jnp.float32),
        pltpu.VMEM_SHARED((NACC, DW), jnp.float32),
        pltpu.SemaphoreType.DMA,
    ]

    def body(dst_hbm, z_hbm, on_hbm, out_hbm, dst_v, ones_v, acc_sh, sem_s):
        c, s, wid = _tile_ids()
        r0 = pl.multiple_of(s * RPT, 8)

        def init_rows(rr, nr):
            pltpu.sync_copy(z_hbm.at[pl.ds(0, nr)], acc_sh.at[pl.ds(rr, nr)])

        _rowwise(init_rows)(s, r0)
        pltpu.sync_copy(on_hbm, ones_v)
        pltpu.sync_copy(dst_hbm.at[wid], dst_v)
        plsc.subcore_barrier()

        def chunk(j, carry):
            pltpu.async_copy(ones_v, acc_sh.at[dst_v.at[j]], sem_s, add=True)

            @pl.when(j >= SK)
            def _():
                pltpu.make_async_copy(ones_v, acc_sh.at[dst_v.at[j]],
                                      sem_s).wait()

            return carry

        lax.fori_loop(0, NCH, chunk, 0)

        def drain(i, carry):
            pltpu.make_async_copy(ones_v, acc_sh.at[dst_v.at[0]],
                                  sem_s).wait()
            return carry

        lax.fori_loop(0, SK, drain, 0)
        plsc.subcore_barrier()

        def write_rows(rr, nr):
            pltpu.sync_copy(acc_sh.at[pl.ds(rr, nr)],
                            out_hbm.at[c, pl.ds(rr, nr), :])

        _rowwise(write_rows)(s, r0)

    return pl.kernel(
        body,
        out_type=jax.ShapeDtypeStruct((NC, N, DW), jnp.float32),
        mesh=_mesh(),
        scratch_types=scratch,
    )


def _deg(*args):
    return _make_deg()(*args)


def _mm_body(x_ref, w_ref, o_ref):
    o_ref[...] = jnp.dot(x_ref[...], w_ref[...],
                         preferred_element_type=jnp.float32,
                         precision=lax.Precision.HIGHEST)


def _tc_matmul(x, W):
    return pl.pallas_call(
        _mm_body,
        grid=(GRID,),
        in_specs=[pl.BlockSpec((BN, D), lambda i: (i, 0)),
                  pl.BlockSpec((D, D), lambda i: (0, 0))],
        out_specs=pl.BlockSpec((BN, D), lambda i: (i, 0)),
        out_shape=jax.ShapeDtypeStruct((N, D), jnp.float32),
    )(x, W)


def _ep1_body(a_ref, g_ref, y_ref, b_ref, w_ref, o_ref):
    agg = a_ref[0] + a_ref[1] + y_ref[...]
    den = g_ref[0] + g_ref[1] + 1.0
    h = agg / den + b_ref[...]
    h = jnp.maximum(h, 0.0)
    o_ref[...] = jnp.dot(h, w_ref[...],
                         preferred_element_type=jnp.float32,
                         precision=lax.Precision.HIGHEST)


def _tc_ep1(a, dp, y, b1, W2):
    return pl.pallas_call(
        _ep1_body,
        grid=(GRID,),
        in_specs=[pl.BlockSpec((2, BN, D), lambda i: (0, i, 0)),
                  pl.BlockSpec((2, BN, 1), lambda i: (0, i, 0)),
                  pl.BlockSpec((BN, D), lambda i: (i, 0)),
                  pl.BlockSpec((1, D), lambda i: (0, 0)),
                  pl.BlockSpec((D, D), lambda i: (0, 0))],
        out_specs=pl.BlockSpec((BN, D), lambda i: (i, 0)),
        out_shape=jax.ShapeDtypeStruct((N, D), jnp.float32),
    )(a, dp, y, b1.reshape(1, D), W2)


def _ep2_body(a_ref, g_ref, y_ref, b_ref, o_ref):
    agg = a_ref[0] + a_ref[1] + y_ref[...]
    den = g_ref[0] + g_ref[1] + 1.0
    o_ref[...] = agg / den + b_ref[...]


def _tc_ep2(a, dp, y, b2):
    return pl.pallas_call(
        _ep2_body,
        grid=(GRID,),
        in_specs=[pl.BlockSpec((2, BN, D), lambda i: (0, i, 0)),
                  pl.BlockSpec((2, BN, 1), lambda i: (0, i, 0)),
                  pl.BlockSpec((BN, D), lambda i: (i, 0)),
                  pl.BlockSpec((1, D), lambda i: (0, 0))],
        out_specs=pl.BlockSpec((BN, D), lambda i: (i, 0)),
        out_shape=jax.ShapeDtypeStruct((N, D), jnp.float32),
    )(a, dp, y, b2.reshape(1, D))


def kernel(x, edge_index, W1, b1, W2, b2):
    src = edge_index[0].reshape(NW, NG, G, C)
    dst = edge_index[1].reshape(NW, NG, G, C)
    dstd = edge_index[1].reshape(NW, NCH, C)
    z = jnp.zeros((RPT, D), jnp.float32)
    on = jnp.ones((C, DW), jnp.float32)

    dp = _deg(dstd, z, on)[:, :, 0:1]
    y1 = _tc_matmul(x, W1)
    y1b, _ = lax.optimization_barrier((y1, dp))
    a1 = _segsum(y1b, src, dst, z)
    y2 = _tc_ep1(a1, dp, y1, b1, W2)
    a2 = _segsum(y2, src, dst, z)
    return _tc_ep2(a2, dp, y2, b2)

# --- scband reference (transcript-rebuilt; emitter-appended) ---
"""Pipeline reference for scband-sage-6296422056697 (READ-ONLY COPY).

The authoritative reference and input builder live on the scoring server;
editing this copy changes nothing except your own understanding.
"""

import jax, jax.numpy as jnp
import numpy as np

N = 10000
E = 320000
D = 128
HID = 128
OUT = 128


def setup_inputs(seed: int = 0) -> dict:
    key = jax.random.key(seed)
    ks = jax.random.split(key, 8)
    x = jax.random.normal(ks[0], (N, D), dtype=jnp.float32)
    edge_index = jax.random.randint(ks[1], (2, E), 0, N, dtype=jnp.int32)
    s1 = 1.0 / np.sqrt(D)
    s2 = 1.0 / np.sqrt(HID)
    W1 = jax.random.uniform(ks[2], (D, HID), dtype=jnp.float32, minval=-s1, maxval=s1)
    b1 = jax.random.uniform(ks[3], (HID,), dtype=jnp.float32, minval=-s1, maxval=s1)
    W2 = jax.random.uniform(ks[4], (HID, OUT), dtype=jnp.float32, minval=-s2, maxval=s2)
    b2 = jax.random.uniform(ks[5], (OUT,), dtype=jnp.float32, minval=-s2, maxval=s2)
    return {"x": x, "edge_index": edge_index, "W1": W1, "b1": b1, "W2": W2, "b2": b2}


def reference(x, edge_index, W1, b1, W2, b2):
    # DGL SAGEConv with aggregator_type='gcn':
    #   h_neigh = (sum_{u in N(v)} h_u + h_v) / (in_deg(v) + 1)
    #   out = h_neigh @ W + b   (no fc_self for 'gcn')
    src = edge_index[0]
    dst = edge_index[1]
    deg = jnp.bincount(dst, length=N).astype(x.dtype)
    denom = (deg + 1.0)[:, None]

    def sage_gcn(h, W, b):
        agg = jax.ops.segment_sum(h[src], dst, num_segments=N)
        h_neigh = (agg + h) / denom
        return h_neigh @ W + b

    h = sage_gcn(x, W1, b1)
    h = jax.nn.relu(h)
    # dropout is identity in eval mode
    h = sage_gcn(h, W2, b2)
    return h

if __name__ == "__main__":
    import jax
    _d = setup_inputs()
    print(jax.jit(kernel)(*tuple(_d.values())))

</pallas_src>

<mosaic_0001>
#map = affine_map<(d0, d1) -> (0, 0)>
#map1 = affine_map<(d0, d1) -> (0, 0, 0, 0)>
#map2 = affine_map<(d0, d1) -> (0, 0, 0)>
module attributes {stable_mosaic.version = 14 : i64} {
  func.func @body(%arg0: i32, %arg1: i32, %arg2: memref<10000x128xf32, #tpu.memory_space<hbm>>, %arg3: memref<32x5x25x80xi32, #tpu.memory_space<hbm>>, %arg4: memref<32x5x25x80xi32, #tpu.memory_space<hbm>>, %arg5: memref<640x128xf32, #tpu.memory_space<hbm>>, %arg6: memref<2x10000x128xf32, #tpu.memory_space<hbm>>, %arg7: memref<2x25x80xi32, #tpu.memory_space<vmem>>, %arg8: memref<2x25x80xi32, #tpu.memory_space<vmem>>, %arg9: memref<3x80x128xf32, #tpu.memory_space<vmem>>, %arg10: memref<10000x128xf32, #tpu.memory_space<vmem_shared>>, %arg11: memref<!tpu.dma_semaphore, #tpu.memory_space<semaphore_mem>>, %arg12: memref<!tpu.dma_semaphore, #tpu.memory_space<semaphore_mem>>) attributes {dimension_semantics = [#tpu.dimension_semantics<core_parallel>, #tpu.dimension_semantics<subcore_parallel>], iteration_bounds = array<i64: 2, 16>, scalar_prefetch = 0 : i64, scratch_operands = 6 : i64, tpu.core_type = #tpu.core_type<sc_vector_subcore>, window_params = [{transform_indices = #map}, {transform_indices = #map1}, {transform_indices = #map1}, {transform_indices = #map}, {transform_indices = #map2}]} {
    %mul3A = arith.constant 2 : i32
    %mul3A_0 = arith.muli %arg1, %mul3A : i32
    %add3A = arith.addi %mul3A_0, %arg0 : i32
    %mul3A_1 = arith.constant 640 : i32
    %mul3A_2 = arith.muli %arg1, %mul3A_1 : i32
    %multiple_of3A = tpu.assume_multiple %mul3A_2, 8 : i32
    %lt3A = arith.constant 15 : i32
    %lt3A_3 = arith.cmpi slt, %arg1, %lt3A : i32
    %convert_element_type3A = arith.extui %lt3A_3 : i1 to i32
    %cond3A = arith.constant 0 : i32
    %cond3A_4 = arith.cmpi ne, %convert_element_type3A, %cond3A : i32
    scf.if %cond3A_4 {
      "tpu.region"() ({
        %run_scoped3A_89 = tpu.sem_alloc : memref<!tpu.dma_semaphore, #tpu.memory_space<semaphore_mem>>
        %dma_start3A_90 = arith.constant 0 : i32
        %dma_start3A_91 = tpu.memref_slice %arg10[%multiple_of3A, %dma_start3A_90] : memref<10000x128xf32, #tpu.memory_space<vmem_shared>> -> memref<640x128xf32, #tpu.memory_space<vmem_shared>>
        %dma_start3A_92 = arith.constant 0 : i32
        %dma_start3A_93 = arith.constant 0 : i32
        %dma_start3A_94 = tpu.memref_slice %arg5[%dma_start3A_92, %dma_start3A_93] : memref<640x128xf32, #tpu.memory_space<hbm>> -> memref<640x128xf32, #tpu.memory_space<hbm>>
        tpu.enqueue_dma source(%dma_start3A_94 : memref<640x128xf32, #tpu.memory_space<hbm>>) target(%dma_start3A_91 : memref<640x128xf32, #tpu.memory_space<vmem_shared>>) target_semaphore(%run_scoped3A_89 : memref<!tpu.dma_semaphore, #tpu.memory_space<semaphore_mem>>)
        %dma_wait3A = arith.constant 0 : i32
        %dma_wait3A_95 = tpu.memref_slice %arg10[%multiple_of3A, %dma_wait3A] : memref<10000x128xf32, #tpu.memory_space<vmem_shared>> -> memref<640x128xf32, #tpu.memory_space<vmem_shared>>
        %dma_wait3A_96 = arith.constant 0 : i32
        %dma_wait3A_97 = arith.constant 0 : i32
        %dma_wait3A_98 = tpu.memref_slice %arg5[%dma_wait3A_96, %dma_wait3A_97] : memref<640x128xf32, #tpu.memory_space<hbm>> -> memref<640x128xf32, #tpu.memory_space<hbm>>
        tpu.wait_dma2 semaphore(%run_scoped3A_89 : memref<!tpu.dma_semaphore, #tpu.memory_space<semaphore_mem>>) src(%dma_wait3A_98 : memref<640x128xf32, #tpu.memory_space<hbm>>) dst(%dma_wait3A_95 : memref<640x128xf32, #tpu.memory_space<vmem_shared>>)
        tpu.yield
      }) : () -> ()
    } else {
    }
    %eq3A = arith.constant 15 : i32
    %eq3A_5 = arith.cmpi eq, %arg1, %eq3A : i32
    %convert_element_type3A_6 = arith.extui %eq3A_5 : i1 to i32
    %cond3A_7 = arith.constant 0 : i32
    %cond3A_8 = arith.cmpi ne, %convert_element_type3A_6, %cond3A_7 : i32
    scf.if %cond3A_8 {
      "tpu.region"() ({
        %run_scoped3A_89 = tpu.sem_alloc : memref<!tpu.dma_semaphore, #tpu.memory_space<semaphore_mem>>
        %dma_start3A_90 = arith.constant 0 : i32
        %dma_start3A_91 = tpu.memref_slice %arg10[%multiple_of3A, %dma_start3A_90] : memref<10000x128xf32, #tpu.memory_space<vmem_shared>> -> memref<400x128xf32, #tpu.memory_space<vmem_shared>>
        %dma_start3A_92 = arith.constant 0 : i32
        %dma_start3A_93 = arith.constant 0 : i32
        %dma_start3A_94 = tpu.memref_slice %arg5[%dma_start3A_92, %dma_start3A_93] : memref<640x128xf32, #tpu.memory_space<hbm>> -> memref<400x128xf32, #tpu.memory_space<hbm>>
        tpu.enqueue_dma source(%dma_start3A_94 : memref<400x128xf32, #tpu.memory_space<hbm>>) target(%dma_start3A_91 : memref<400x128xf32, #tpu.memory_space<vmem_shared>>) target_semaphore(%run_scoped3A_89 : memref<!tpu.dma_semaphore, #tpu.memory_space<semaphore_mem>>)
        %dma_wait3A = arith.constant 0 : i32
        %dma_wait3A_95 = tpu.memref_slice %arg10[%multiple_of3A, %dma_wait3A] : memref<10000x128xf32, #tpu.memory_space<vmem_shared>> -> memref<400x128xf32, #tpu.memory_space<vmem_shared>>
        %dma_wait3A_96 = arith.constant 0 : i32
        %dma_wait3A_97 = arith.constant 0 : i32
        %dma_wait3A_98 = tpu.memref_slice %arg5[%dma_wait3A_96, %dma_wait3A_97] : memref<640x128xf32, #tpu.memory_space<hbm>> -> memref<400x128xf32, #tpu.memory_space<hbm>>
        tpu.wait_dma2 semaphore(%run_scoped3A_89 : memref<!tpu.dma_semaphore, #tpu.memory_space<semaphore_mem>>) src(%dma_wait3A_98 : memref<400x128xf32, #tpu.memory_space<hbm>>) dst(%dma_wait3A_95 : memref<400x128xf32, #tpu.memory_space<vmem_shared>>)
        tpu.yield
      }) : () -> ()
    } else {
    }
    %run_scoped3A = arith.constant 0 : i32
    %run_scoped3A_9 = arith.constant 0 : i32
    "tpu.region"() ({
      %run_scoped3A_89 = tpu.sem_alloc : memref<!tpu.dma_semaphore, #tpu.memory_space<semaphore_mem>>
      %dma_start3A_90 = arith.constant 0 : i32
      %dma_start3A_91 = arith.constant 0 : i32
      %dma_start3A_92 = tpu.memref_slice %arg7[%run_scoped3A_9, %dma_start3A_90, %dma_start3A_91] : memref<2x25x80xi32, #tpu.memory_space<vmem>> -> memref<1x25x80xi32, #tpu.memory_space<vmem>>
      %dma_start3A_93 = tpu.memref_squeeze %dma_start3A_92 : memref<1x25x80xi32, #tpu.memory_space<vmem>> -> memref<25x80xi32, #tpu.memory_space<vmem>>
      %dma_start3A_94 = arith.constant 0 : i32
      %dma_start3A_95 = arith.constant 0 : i32
      %dma_start3A_96 = tpu.memref_slice %arg3[%add3A, %run_scoped3A, %dma_start3A_94, %dma_start3A_95] : memref<32x5x25x80xi32, #tpu.memory_space<hbm>> -> memref<1x1x25x80xi32, #tpu.memory_space<hbm>>
      %dma_start3A_97 = tpu.memref_squeeze %dma_start3A_96 : memref<1x1x25x80xi32, #tpu.memory_space<hbm>> -> memref<25x80xi32, #tpu.memory_space<hbm>>
      %dma_start3A_98 = arith.constant 0 : i32
      %dma_start3A_99 = arith.constant 0 : i32
      %dma_start3A_100 = tpu.memref_slice %arg7[%run_scoped3A_9, %dma_start3A_98, %dma_start3A_99] : memref<2x25x80xi32, #tpu.memory_space<vmem>> -> memref<1x25x80xi32, #tpu.memory_space<vmem>>
      %dma_start3A_101 = tpu.memref_squeeze %dma_start3A_100 : memref<1x25x80xi32, #tpu.memory_space<vmem>> -> memref<25x80xi32, #tpu.memory_space<vmem>>
      %dma_start3A_102 = arith.constant 0 : i32
      %dma_start3A_103 = arith.constant 0 : i32
      %dma_start3A_104 = tpu.memref_slice %arg3[%add3A, %run_scoped3A, %dma_start3A_102, %dma_start3A_103] : memref<32x5x25x80xi32, #tpu.memory_space<hbm>> -> memref<1x1x25x80xi32, #tpu.memory_space<hbm>>
      %dma_start3A_105 = tpu.memref_squeeze %dma_start3A_104 : memref<1x1x25x80xi32, #tpu.memory_space<hbm>> -> memref<25x80xi32, #tpu.memory_space<hbm>>
      tpu.enqueue_dma source(%dma_start3A_105 : memref<25x80xi32, #tpu.memory_space<hbm>>) target(%dma_start3A_101 : memref<25x80xi32, #tpu.memory_space<vmem>>) target_semaphore(%run_scoped3A_89 : memref<!tpu.dma_semaphore, #tpu.memory_space<semaphore_mem>>)
      %dma_wait3A = arith.constant 0 : i32
      %dma_wait3A_106 = arith.constant 0 : i32
      %dma_wait3A_107 = tpu.memref_slice %arg7[%run_scoped3A_9, %dma_wait3A, %dma_wait3A_106] : memref<2x25x80xi32, #tpu.memory_space<vmem>> -> memref<1x25x80xi32, #tpu.memory_space<vmem>>
      %dma_wait3A_108 = tpu.memref_squeeze %dma_wait3A_107 : memref<1x25x80xi32, #tpu.memory_space<vmem>> -> memref<25x80xi32, #tpu.memory_space<vmem>>
      %dma_wait3A_109 = arith.constant 0 : i32
      %dma_wait3A_110 = arith.constant 0 : i32
      %dma_wait3A_111 = tpu.memref_slice %arg3[%add3A, %run_scoped3A, %dma_wait3A_109, %dma_wait3A_110] : memref<32x5x25x80xi32, #tpu.memory_space<hbm>> -> memref<1x1x25x80xi32, #tpu.memory_space<hbm>>
      %dma_wait3A_112 = tpu.memref_squeeze %dma_wait3A_111 : memref<1x1x25x80xi32, #tpu.memory_space<hbm>> -> memref<25x80xi32, #tpu.memory_space<hbm>>
      %dma_wait3A_113 = arith.constant 0 : i32
      %dma_wait3A_114 = arith.constant 0 : i32
      %dma_wait3A_115 = tpu.memref_slice %arg7[%run_scoped3A_9, %dma_wait3A_113, %dma_wait3A_114] : memref<2x25x80xi32, #tpu.memory_space<vmem>> -> memref<1x25x80xi32, #tpu.memory_space<vmem>>
      %dma_wait3A_116 = tpu.memref_squeeze %dma_wait3A_115 : memref<1x25x80xi32, #tpu.memory_space<vmem>> -> memref<25x80xi32, #tpu.memory_space<vmem>>
      %dma_wait3A_117 = arith.constant 0 : i32
      %dma_wait3A_118 = arith.constant 0 : i32
      %dma_wait3A_119 = tpu.memref_slice %arg3[%add3A, %run_scoped3A, %dma_wait3A_117, %dma_wait3A_118] : memref<32x5x25x80xi32, #tpu.memory_space<hbm>> -> memref<1x1x25x80xi32, #tpu.memory_space<hbm>>
      %dma_wait3A_120 = tpu.memref_squeeze %dma_wait3A_119 : memref<1x1x25x80xi32, #tpu.memory_space<hbm>> -> memref<25x80xi32, #tpu.memory_space<hbm>>
      tpu.wait_dma2 semaphore(%run_scoped3A_89 : memref<!tpu.dma_semaphore, #tpu.memory_space<semaphore_mem>>) src(%dma_wait3A_120 : memref<25x80xi32, #tpu.memory_space<hbm>>) dst(%dma_wait3A_116 : memref<25x80xi32, #tpu.memory_space<vmem>>)
      tpu.yield
    }) : () -> ()
    %run_scoped3A_10 = arith.constant 0 : i32
    %run_scoped3A_11 = arith.constant 0 : i32
    "tpu.region"() ({
      %run_scoped3A_89 = tpu.sem_alloc : memref<!tpu.dma_semaphore, #tpu.memory_space<semaphore_mem>>
      %dma_start3A_90 = arith.constant 0 : i32
      %dma_start3A_91 = arith.constant 0 : i32
      %dma_start3A_92 = tpu.memref_slice %arg8[%run_scoped3A_11, %dma_start3A_90, %dma_start3A_91] : memref<2x25x80xi32, #tpu.memory_space<vmem>> -> memref<1x25x80xi32, #tpu.memory_space<vmem>>
      %dma_start3A_93 = tpu.memref_squeeze %dma_start3A_92 : memref<1x25x80xi32, #tpu.memory_space<vmem>> -> memref<25x80xi32, #tpu.memory_space<vmem>>
      %dma_start3A_94 = arith.constant 0 : i32
      %dma_start3A_95 = arith.constant 0 : i32
      %dma_start3A_96 = tpu.memref_slice %arg4[%add3A, %run_scoped3A_10, %dma_start3A_94, %dma_start3A_95] : memref<32x5x25x80xi32, #tpu.memory_space<hbm>> -> memref<1x1x25x80xi32, #tpu.memory_space<hbm>>
      %dma_start3A_97 = tpu.memref_squeeze %dma_start3A_96 : memref<1x1x25x80xi32, #tpu.memory_space<hbm>> -> memref<25x80xi32, #tpu.memory_space<hbm>>
      %dma_start3A_98 = arith.constant 0 : i32
      %dma_start3A_99 = arith.constant 0 : i32
      %dma_start3A_100 = tpu.memref_slice %arg8[%run_scoped3A_11, %dma_start3A_98, %dma_start3A_99] : memref<2x25x80xi32, #tpu.memory_space<vmem>> -> memref<1x25x80xi32, #tpu.memory_space<vmem>>
      %dma_start3A_101 = tpu.memref_squeeze %dma_start3A_100 : memref<1x25x80xi32, #tpu.memory_space<vmem>> -> memref<25x80xi32, #tpu.memory_space<vmem>>
      %dma_start3A_102 = arith.constant 0 : i32
      %dma_start3A_103 = arith.constant 0 : i32
      %dma_start3A_104 = tpu.memref_slice %arg4[%add3A, %run_scoped3A_10, %dma_start3A_102, %dma_start3A_103] : memref<32x5x25x80xi32, #tpu.memory_space<hbm>> -> memref<1x1x25x80xi32, #tpu.memory_space<hbm>>
      %dma_start3A_105 = tpu.memref_squeeze %dma_start3A_104 : memref<1x1x25x80xi32, #tpu.memory_space<hbm>> -> memref<25x80xi32, #tpu.memory_space<hbm>>
      tpu.enqueue_dma source(%dma_start3A_105 : memref<25x80xi32, #tpu.memory_space<hbm>>) target(%dma_start3A_101 : memref<25x80xi32, #tpu.memory_space<vmem>>) target_semaphore(%run_scoped3A_89 : memref<!tpu.dma_semaphore, #tpu.memory_space<semaphore_mem>>)
      %dma_wait3A = arith.constant 0 : i32
      %dma_wait3A_106 = arith.constant 0 : i32
      %dma_wait3A_107 = tpu.memref_slice %arg8[%run_scoped3A_11, %dma_wait3A, %dma_wait3A_106] : memref<2x25x80xi32, #tpu.memory_space<vmem>> -> memref<1x25x80xi32, #tpu.memory_space<vmem>>
      %dma_wait3A_108 = tpu.memref_squeeze %dma_wait3A_107 : memref<1x25x80xi32, #tpu.memory_space<vmem>> -> memref<25x80xi32, #tpu.memory_space<vmem>>
      %dma_wait3A_109 = arith.constant 0 : i32
      %dma_wait3A_110 = arith.constant 0 : i32
      %dma_wait3A_111 = tpu.memref_slice %arg4[%add3A, %run_scoped3A_10, %dma_wait3A_109, %dma_wait3A_110] : memref<32x5x25x80xi32, #tpu.memory_space<hbm>> -> memref<1x1x25x80xi32, #tpu.memory_space<hbm>>
      %dma_wait3A_112 = tpu.memref_squeeze %dma_wait3A_111 : memref<1x1x25x80xi32, #tpu.memory_space<hbm>> -> memref<25x80xi32, #tpu.memory_space<hbm>>
      %dma_wait3A_113 = arith.constant 0 : i32
      %dma_wait3A_114 = arith.constant 0 : i32
      %dma_wait3A_115 = tpu.memref_slice %arg8[%run_scoped3A_11, %dma_wait3A_113, %dma_wait3A_114] : memref<2x25x80xi32, #tpu.memory_space<vmem>> -> memref<1x25x80xi32, #tpu.memory_space<vmem>>
      %dma_wait3A_116 = tpu.memref_squeeze %dma_wait3A_115 : memref<1x25x80xi32, #tpu.memory_space<vmem>> -> memref<25x80xi32, #tpu.memory_space<vmem>>
      %dma_wait3A_117 = arith.constant 0 : i32
      %dma_wait3A_118 = arith.constant 0 : i32
      %dma_wait3A_119 = tpu.memref_slice %arg4[%add3A, %run_scoped3A_10, %dma_wait3A_117, %dma_wait3A_118] : memref<32x5x25x80xi32, #tpu.memory_space<hbm>> -> memref<1x1x25x80xi32, #tpu.memory_space<hbm>>
      %dma_wait3A_120 = tpu.memref_squeeze %dma_wait3A_119 : memref<1x1x25x80xi32, #tpu.memory_space<hbm>> -> memref<25x80xi32, #tpu.memory_space<hbm>>
      tpu.wait_dma2 semaphore(%run_scoped3A_89 : memref<!tpu.dma_semaphore, #tpu.memory_space<semaphore_mem>>) src(%dma_wait3A_120 : memref<25x80xi32, #tpu.memory_space<hbm>>) dst(%dma_wait3A_116 : memref<25x80xi32, #tpu.memory_space<vmem>>)
      tpu.yield
    }) : () -> ()
    %dma_start3A = arith.constant 1 : i32
    %dma_start3A_12 = arith.constant 1 : i32
    %dma_start3A_13 = arith.constant 0 : i32
    %dma_start3A_14 = arith.constant 0 : i32
    %dma_start3A_15 = tpu.memref_slice %arg7[%dma_start3A_12, %dma_start3A_13, %dma_start3A_14] : memref<2x25x80xi32, #tpu.memory_space<vmem>> -> memref<1x25x80xi32, #tpu.memory_space<vmem>>
    %dma_start3A_16 = tpu.memref_squeeze %dma_start3A_15 : memref<1x25x80xi32, #tpu.memory_space<vmem>> -> memref<25x80xi32, #tpu.memory_space<vmem>>
    %dma_start3A_17 = arith.constant 0 : i32
    %dma_start3A_18 = arith.constant 0 : i32
    %dma_start3A_19 = tpu.memref_slice %arg3[%add3A, %dma_start3A, %dma_start3A_17, %dma_start3A_18] : memref<32x5x25x80xi32, #tpu.memory_space<hbm>> -> memref<1x1x25x80xi32, #tpu.memory_space<hbm>>
    %dma_start3A_20 = tpu.memref_squeeze %dma_start3A_19 : memref<1x1x25x80xi32, #tpu.memory_space<hbm>> -> memref<25x80xi32, #tpu.memory_space<hbm>>
    %dma_start3A_21 = arith.constant 0 : i32
    %dma_start3A_22 = arith.constant 0 : i32
    %dma_start3A_23 = tpu.memref_slice %arg7[%dma_start3A_12, %dma_start3A_21, %dma_start3A_22] : memref<2x25x80xi32, #tpu.memory_space<vmem>> -> memref<1x25x80xi32, #tpu.memory_space<vmem>>
    %dma_start3A_24 = tpu.memref_squeeze %dma_start3A_23 : memref<1x25x80xi32, #tpu.memory_space<vmem>> -> memref<25x80xi32, #tpu.memory_space<vmem>>
    %dma_start3A_25 = arith.constant 0 : i32
    %dma_start3A_26 = arith.constant 0 : i32
    %dma_start3A_27 = tpu.memref_slice %arg3[%add3A, %dma_start3A, %dma_start3A_25, %dma_start3A_26] : memref<32x5x25x80xi32, #tpu.memory_space<hbm>> -> memref<1x1x25x80xi32, #tpu.memory_space<hbm>>
    %dma_start3A_28 = tpu.memref_squeeze %dma_start3A_27 : memref<1x1x25x80xi32, #tpu.memory_space<hbm>> -> memref<25x80xi32, #tpu.memory_space<hbm>>
    tpu.enqueue_dma source(%dma_start3A_28 : memref<25x80xi32, #tpu.memory_space<hbm>>) target(%dma_start3A_24 : memref<25x80xi32, #tpu.memory_space<vmem>>) target_semaphore(%arg12 : memref<!tpu.dma_semaphore, #tpu.memory_space<semaphore_mem>>)
    %dma_start3A_29 = arith.constant 1 : i32
    %dma_start3A_30 = arith.constant 1 : i32
    %dma_start3A_31 = arith.constant 0 : i32
    %dma_start3A_32 = arith.constant 0 : i32
    %dma_start3A_33 = tpu.memref_slice %arg8[%dma_start3A_30, %dma_start3A_31, %dma_start3A_32] : memref<2x25x80xi32, #tpu.memory_space<vmem>> -> memref<1x25x80xi32, #tpu.memory_space<vmem>>
    %dma_start3A_34 = tpu.memref_squeeze %dma_start3A_33 : memref<1x25x80xi32, #tpu.memory_space<vmem>> -> memref<25x80xi32, #tpu.memory_space<vmem>>
    %dma_start3A_35 = arith.constant 0 : i32
    %dma_start3A_36 = arith.constant 0 : i32
    %dma_start3A_37 = tpu.memref_slice %arg4[%add3A, %dma_start3A_29, %dma_start3A_35, %dma_start3A_36] : memref<32x5x25x80xi32, #tpu.memory_space<hbm>> -> memref<1x1x25x80xi32, #tpu.memory_space<hbm>>
    %dma_start3A_38 = tpu.memref_squeeze %dma_start3A_37 : memref<1x1x25x80xi32, #tpu.memory_space<hbm>> -> memref<25x80xi32, #tpu.memory_space<hbm>>
    %dma_start3A_39 = arith.constant 0 : i32
    %dma_start3A_40 = arith.constant 0 : i32
    %dma_start3A_41 = tpu.memref_slice %arg8[%dma_start3A_30, %dma_start3A_39, %dma_start3A_40] : memref<2x25x80xi32, #tpu.memory_space<vmem>> -> memref<1x25x80xi32, #tpu.memory_space<vmem>>
    %dma_start3A_42 = tpu.memref_squeeze %dma_start3A_41 : memref<1x25x80xi32, #tpu.memory_space<vmem>> -> memref<25x80xi32, #tpu.memory_space<vmem>>
    %dma_start3A_43 = arith.constant 0 : i32
    %dma_start3A_44 = arith.constant 0 : i32
    %dma_start3A_45 = tpu.memref_slice %arg4[%add3A, %dma_start3A_29, %dma_start3A_43, %dma_start3A_44] : memref<32x5x25x80xi32, #tpu.memory_space<hbm>> -> memref<1x1x25x80xi32, #tpu.memory_space<hbm>>
    %dma_start3A_46 = tpu.memref_squeeze %dma_start3A_45 : memref<1x1x25x80xi32, #tpu.memory_space<hbm>> -> memref<25x80xi32, #tpu.memory_space<hbm>>
    tpu.enqueue_dma source(%dma_start3A_46 : memref<25x80xi32, #tpu.memory_space<hbm>>) target(%dma_start3A_42 : memref<25x80xi32, #tpu.memory_space<vmem>>) target_semaphore(%arg12 : memref<!tpu.dma_semaphore, #tpu.memory_space<semaphore_mem>>)
    %barrier3A = arith.constant 0 : index
    tpu.barrier barrier_id(%barrier3A)
    %dma_start3A_47 = arith.constant 0 : i32
    %dma_start3A_48 = arith.constant 0 : i32
    %dma_start3A_49 = arith.constant 0 : i32
    %dma_start3A_50 = arith.constant 0 : i32
    %dma_start3A_51 = arith.constant 0 : i32
    %dma_start3A_52 = tpu.memref_slice %arg9[%dma_start3A_49, %dma_start3A_50, %dma_start3A_51] : memref<3x80x128xf32, #tpu.memory_space<vmem>> -> memref<1x80x128xf32, #tpu.memory_space<vmem>>
    %dma_start3A_53 = tpu.memref_squeeze %dma_start3A_52 : memref<1x80x128xf32, #tpu.memory_space<vmem>> -> memref<80x128xf32, #tpu.memory_space<vmem>>
    %dma_start3A_54 = arith.constant 0 : i32
    %dma_start3A_55 = tpu.memref_slice %arg7[%dma_start3A_47, %dma_start3A_48, %dma_start3A_54] : memref<2x25x80xi32, #tpu.memory_space<vmem>> -> memref<1x1x80xi32, #tpu.memory_space<vmem>>
    %dma_start3A_56 = tpu.memref_squeeze %dma_start3A_55 : memref<1x1x80xi32, #tpu.memory_space<vmem>> -> memref<80xi32, #tpu.memory_space<vmem>>
    %dma_start3A_57 = arith.constant 0 : i32
    %dma_start3A_58 = arith.constant 0 : i32
    %dma_start3A_59 = tpu.memref_slice %arg2[%dma_start3A_57, %dma_start3A_58] : memref<10000x128xf32, #tpu.memory_space<hbm>> -> memref<10000x128xf32, #tpu.memory_space<hbm>>
    tpu.enqueue_indirect_dma source(%dma_start3A_59 : memref<10000x128xf32, #tpu.memory_space<hbm>>) target(%dma_start3A_53 : memref<80x128xf32, #tpu.memory_space<vmem>>) offsets(%dma_start3A_56 : memref<80xi32, #tpu.memory_space<vmem>>) semaphore(%arg11 : memref<!tpu.dma_semaphore, #tpu.memory_space<semaphore_mem>>)
    %dma_start3A_60 = arith.constant 0 : i32
    %dma_start3A_61 = arith.constant 1 : i32
    %dma_start3A_62 = arith.constant 1 : i32
    %dma_start3A_63 = arith.constant 0 : i32
    %dma_start3A_64 = arith.constant 0 : i32
    %dma_start3A_65 = tpu.memref_slice %arg9[%dma_start3A_62, %dma_start3A_63, %dma_start3A_64] : memref<3x80x128xf32, #tpu.memory_space<vmem>> -> memref<1x80x128xf32, #tpu.memory_space<vmem>>
    %dma_start3A_66 = tpu.memref_squeeze %dma_start3A_65 : memref<1x80x128xf32, #tpu.memory_space<vmem>> -> memref<80x128xf32, #tpu.memory_space<vmem>>
    %dma_start3A_67 = arith.constant 0 : i32
    %dma_start3A_68 = tpu.memref_slice %arg7[%dma_start3A_60, %dma_start3A_61, %dma_start3A_67] : memref<2x25x80xi32, #tpu.memory_space<vmem>> -> memref<1x1x80xi32, #tpu.memory_space<vmem>>
    %dma_start3A_69 = tpu.memref_squeeze %dma_start3A_68 : memref<1x1x80xi32, #tpu.memory_space<vmem>> -> memref<80xi32, #tpu.memory_space<vmem>>
    %dma_start3A_70 = arith.constant 0 : i32
    %dma_start3A_71 = arith.constant 0 : i32
    %dma_start3A_72 = tpu.memref_slice %arg2[%dma_start3A_70, %dma_start3A_71] : memref<10000x128xf32, #tpu.memory_space<hbm>> -> memref<10000x128xf32, #tpu.memory_space<hbm>>
    tpu.enqueue_indirect_dma source(%dma_start3A_72 : memref<10000x128xf32, #tpu.memory_space<hbm>>) target(%dma_start3A_66 : memref<80x128xf32, #tpu.memory_space<vmem>>) offsets(%dma_start3A_69 : memref<80xi32, #tpu.memory_space<vmem>>) semaphore(%arg11 : memref<!tpu.dma_semaphore, #tpu.memory_space<semaphore_mem>>)
    %scan3A = arith.constant 0 : i32
    %scan3A_73 = arith.constant 0 : i32
    %scan3A_74 = arith.constant 125 : i32
    %scan3A_75 = arith.addi %scan3A_73, %scan3A_74 : i32
    %scan3A_76 = arith.constant 1 : i32
    scf.for %scan3A_89 = %scan3A_73 to %scan3A_75 step %scan3A_76  : i32 {
      %div3A = arith.constant 25 : i32
      %div3A_90 = arith.divsi %scan3A_89, %div3A : i32
      %rem3A = arith.constant 25 : i32
      %rem3A_91 = arith.remsi %scan3A_89, %rem3A : i32
      %rem3A_92 = arith.constant 2 : i32
      %rem3A_93 = arith.remsi %div3A_90, %rem3A_92 : i32
      %eq3A_94 = arith.constant 0 : i32
      %eq3A_95 = arith.cmpi eq, %rem3A_91, %eq3A_94 : i32
      %ge3A = arith.constant 1 : i32
      %ge3A_96 = arith.cmpi sge, %div3A_90, %ge3A : i32
      %and3A = arith.andi %eq3A_95, %ge3A_96 : i1
      %lt3A_97 = arith.constant 4 : i32
      %lt3A_98 = arith.cmpi slt, %div3A_90, %lt3A_97 : i32
      %and3A_99 = arith.andi %and3A, %lt3A_98 : i1
      %convert_element_type3A_100 = arith.extui %and3A_99 : i1 to i32
      %cond3A_101 = arith.constant 0 : i32
      %cond3A_102 = arith.cmpi ne, %convert_element_type3A_100, %cond3A_101 : i32
      scf.if %cond3A_102 {
        %add3A_129 = arith.constant 1 : i32
        %add3A_130 = arith.addi %div3A_90, %add3A_129 : i32
        %sub3A = arith.constant 1 : i32
        %sub3A_131 = arith.subi %sub3A, %rem3A_93 : i32
        %dma_start3A_132 = arith.constant 0 : i32
        %dma_start3A_133 = arith.constant 0 : i32
        %dma_start3A_134 = tpu.memref_slice %arg7[%sub3A_131, %dma_start3A_132, %dma_start3A_133] : memref<2x25x80xi32, #tpu.memory_space<vmem>> -> memref<1x25x80xi32, #tpu.memory_space<vmem>>
        %dma_start3A_135 = tpu.memref_squeeze %dma_start3A_134 : memref<1x25x80xi32, #tpu.memory_space<vmem>> -> memref<25x80xi32, #tpu.memory_space<vmem>>
        %dma_start3A_136 = arith.constant 0 : i32
        %dma_start3A_137 = arith.constant 0 : i32
        %dma_start3A_138 = tpu.memref_slice %arg3[%add3A, %add3A_130, %dma_start3A_136, %dma_start3A_137] : memref<32x5x25x80xi32, #tpu.memory_space<hbm>> -> memref<1x1x25x80xi32, #tpu.memory_space<hbm>>
        %dma_start3A_139 = tpu.memref_squeeze %dma_start3A_138 : memref<1x1x25x80xi32, #tpu.memory_space<hbm>> -> memref<25x80xi32, #tpu.memory_space<hbm>>
        %dma_start3A_140 = arith.constant 0 : i32
        %dma_start3A_141 = arith.constant 0 : i32
        %dma_start3A_142 = tpu.memref_slice %arg7[%sub3A_131, %dma_start3A_140, %dma_start3A_141] : memref<2x25x80xi32, #tpu.memory_space<vmem>> -> memref<1x25x80xi32, #tpu.memory_space<vmem>>
        %dma_start3A_143 = tpu.memref_squeeze %dma_start3A_142 : memref<1x25x80xi32, #tpu.memory_space<vmem>> -> memref<25x80xi32, #tpu.memory_space<vmem>>
        %dma_start3A_144 = arith.constant 0 : i32
        %dma_start3A_145 = arith.constant 0 : i32
        %dma_start3A_146 = tpu.memref_slice %arg3[%add3A, %add3A_130, %dma_start3A_144, %dma_start3A_145] : memref<32x5x25x80xi32, #tpu.memory_space<hbm>> -> memref<1x1x25x80xi32, #tpu.memory_space<hbm>>
        %dma_start3A_147 = tpu.memref_squeeze %dma_start3A_146 : memref<1x1x25x80xi32, #tpu.memory_space<hbm>> -> memref<25x80xi32, #tpu.memory_space<hbm>>
        tpu.enqueue_dma source(%dma_start3A_147 : memref<25x80xi32, #tpu.memory_space<hbm>>) target(%dma_start3A_143 : memref<25x80xi32, #tpu.memory_space<vmem>>) target_semaphore(%arg12 : memref<!tpu.dma_semaphore, #tpu.memory_space<semaphore_mem>>)
        %add3A_148 = arith.constant 1 : i32
        %add3A_149 = arith.addi %div3A_90, %add3A_148 : i32
        %sub3A_150 = arith.constant 1 : i32
        %sub3A_151 = arith.subi %sub3A_150, %rem3A_93 : i32
        %dma_start3A_152 = arith.constant 0 : i32
        %dma_start3A_153 = arith.constant 0 : i32
        %dma_start3A_154 = tpu.memref_slice %arg8[%sub3A_151, %dma_start3A_152, %dma_start3A_153] : memref<2x25x80xi32, #tpu.memory_space<vmem>> -> memref<1x25x80xi32, #tpu.memory_space<vmem>>
        %dma_start3A_155 = tpu.memref_squeeze %dma_start3A_154 : memref<1x25x80xi32, #tpu.memory_space<vmem>> -> memref<25x80xi32, #tpu.memory_space<vmem>>
        %dma_start3A_156 = arith.constant 0 : i32
        %dma_start3A_157 = arith.constant 0 : i32
        %dma_start3A_158 = tpu.memref_slice %arg4[%add3A, %add3A_149, %dma_start3A_156, %dma_start3A_157] : memref<32x5x25x80xi32, #tpu.memory_space<hbm>> -> memref<1x1x25x80xi32, #tpu.memory_space<hbm>>
        %dma_start3A_159 = tpu.memref_squeeze %dma_start3A_158 : memref<1x1x25x80xi32, #tpu.memory_space<hbm>> -> memref<25x80xi32, #tpu.memory_space<hbm>>
        %dma_start3A_160 = arith.constant 0 : i32
        %dma_start3A_161 = arith.constant 0 : i32
        %dma_start3A_162 = tpu.memref_slice %arg8[%sub3A_151, %dma_start3A_160, %dma_start3A_161] : memref<2x25x80xi32, #tpu.memory_space<vmem>> -> memref<1x25x80xi32, #tpu.memory_space<vmem>>
        %dma_start3A_163 = tpu.memref_squeeze %dma_start3A_162 : memref<1x25x80xi32, #tpu.memory_space<vmem>> -> memref<25x80xi32, #tpu.memory_space<vmem>>
        %dma_start3A_164 = arith.constant 0 : i32
        %dma_start3A_165 = arith.constant 0 : i32
        %dma_start3A_166 = tpu.memref_slice %arg4[%add3A, %add3A_149, %dma_start3A_164, %dma_start3A_165] : memref<32x5x25x80xi32, #tpu.memory_space<hbm>> -> memref<1x1x25x80xi32, #tpu.memory_space<hbm>>
        %dma_start3A_167 = tpu.memref_squeeze %dma_start3A_166 : memref<1x1x25x80xi32, #tpu.memory_space<hbm>> -> memref<25x80xi32, #tpu.memory_space<hbm>>
        tpu.enqueue_dma source(%dma_start3A_167 : memref<25x80xi32, #tpu.memory_space<hbm>>) target(%dma_start3A_163 : memref<25x80xi32, #tpu.memory_space<vmem>>) target_semaphore(%arg12 : memref<!tpu.dma_semaphore, #tpu.memory_space<semaphore_mem>>)
      } else {
      }
      %eq3A_103 = arith.constant 23 : i32
      %eq3A_104 = arith.cmpi eq, %rem3A_91, %eq3A_103 : i32
      %lt3A_105 = arith.constant 4 : i32
      %lt3A_106 = arith.cmpi slt, %div3A_90, %lt3A_105 : i32
      %and3A_107 = arith.andi %eq3A_104, %lt3A_106 : i1
      %convert_element_type3A_108 = arith.extui %and3A_107 : i1 to i32
      %cond3A_109 = arith.constant 0 : i32
      %cond3A_110 = arith.cmpi ne, %convert_element_type3A_108, %cond3A_109 : i32
      scf.if %cond3A_110 {
        %add3A_129 = arith.constant 1 : i32
        %add3A_130 = arith.addi %div3A_90, %add3A_129 : i32
        %sub3A = arith.constant 1 : i32
        %sub3A_131 = arith.subi %sub3A, %rem3A_93 : i32
        %dma_wait3A_132 = arith.constant 0 : i32
        %dma_wait3A_133 = arith.constant 0 : i32
        %dma_wait3A_134 = tpu.memref_slice %arg7[%sub3A_131, %dma_wait3A_132, %dma_wait3A_133] : memref<2x25x80xi32, #tpu.memory_space<vmem>> -> memref<1x25x80xi32, #tpu.memory_space<vmem>>
        %dma_wait3A_135 = tpu.memref_squeeze %dma_wait3A_134 : memref<1x25x80xi32, #tpu.memory_space<vmem>> -> memref<25x80xi32, #tpu.memory_space<vmem>>
        %dma_wait3A_136 = arith.constant 0 : i32
        %dma_wait3A_137 = arith.constant 0 : i32
        %dma_wait3A_138 = tpu.memref_slice %arg3[%add3A, %add3A_130, %dma_wait3A_136, %dma_wait3A_137] : memref<32x5x25x80xi32, #tpu.memory_space<hbm>> -> memref<1x1x25x80xi32, #tpu.memory_space<hbm>>
        %dma_wait3A_139 = tpu.memref_squeeze %dma_wait3A_138 : memref<1x1x25x80xi32, #tpu.memory_space<hbm>> -> memref<25x80xi32, #tpu.memory_space<hbm>>
        %dma_wait3A_140 = arith.constant 0 : i32
        %dma_wait3A_141 = arith.constant 0 : i32
        %dma_wait3A_142 = tpu.memref_slice %arg7[%sub3A_131, %dma_wait3A_140, %dma_wait3A_141] : memref<2x25x80xi32, #tpu.memory_space<vmem>> -> memref<1x25x80xi32, #tpu.memory_space<vmem>>
        %dma_wait3A_143 = tpu.memref_squeeze %dma_wait3A_142 : memref<1x25x80xi32, #tpu.memory_space<vmem>> -> memref<25x80xi32, #tpu.memory_space<vmem>>
        %dma_wait3A_144 = arith.constant 0 : i32
        %dma_wait3A_145 = arith.constant 0 : i32
        %dma_wait3A_146 = tpu.memref_slice %arg3[%add3A, %add3A_130, %dma_wait3A_144, %dma_wait3A_145] : memref<32x5x25x80xi32, #tpu.memory_space<hbm>> -> memref<1x1x25x80xi32, #tpu.memory_space<hbm>>
        %dma_wait3A_147 = tpu.memref_squeeze %dma_wait3A_146 : memref<1x1x25x80xi32, #tpu.memory_space<hbm>> -> memref<25x80xi32, #tpu.memory_space<hbm>>
        tpu.wait_dma2 semaphore(%arg12 : memref<!tpu.dma_semaphore, #tpu.memory_space<semaphore_mem>>) src(%dma_wait3A_147 : memref<25x80xi32, #tpu.memory_space<hbm>>) dst(%dma_wait3A_143 : memref<25x80xi32, #tpu.memory_space<vmem>>)
        %add3A_148 = arith.constant 1 : i32
        %add3A_149 = arith.addi %div3A_90, %add3A_148 : i32
        %sub3A_150 = arith.constant 1 : i32
        %sub3A_151 = arith.subi %sub3A_150, %rem3A_93 : i32
        %dma_wait3A_152 = arith.constant 0 : i32
        %dma_wait3A_153 = arith.constant 0 : i32
        %dma_wait3A_154 = tpu.memref_slice %arg8[%sub3A_151, %dma_wait3A_152, %dma_wait3A_153] : memref<2x25x80xi32, #tpu.memory_space<vmem>> -> memref<1x25x80xi32, #tpu.memory_space<vmem>>
        %dma_wait3A_155 = tpu.memref_squeeze %dma_wait3A_154 : memref<1x25x80xi32, #tpu.memory_space<vmem>> -> memref<25x80xi32, #tpu.memory_space<vmem>>
        %dma_wait3A_156 = arith.constant 0 : i32
        %dma_wait3A_157 = arith.constant 0 : i32
        %dma_wait3A_158 = tpu.memref_slice %arg4[%add3A, %add3A_149, %dma_wait3A_156, %dma_wait3A_157] : memref<32x5x25x80xi32, #tpu.memory_space<hbm>> -> memref<1x1x25x80xi32, #tpu.memory_space<hbm>>
        %dma_wait3A_159 = tpu.memref_squeeze %dma_wait3A_158 : memref<1x1x25x80xi32, #tpu.memory_space<hbm>> -> memref<25x80xi32, #tpu.memory_space<hbm>>
        %dma_wait3A_160 = arith.constant 0 : i32
        %dma_wait3A_161 = arith.constant 0 : i32
        %dma_wait3A_162 = tpu.memref_slice %arg8[%sub3A_151, %dma_wait3A_160, %dma_wait3A_161] : memref<2x25x80xi32, #tpu.memory_space<vmem>> -> memref<1x25x80xi32, #tpu.memory_space<vmem>>
        %dma_wait3A_163 = tpu.memref_squeeze %dma_wait3A_162 : memref<1x25x80xi32, #tpu.memory_space<vmem>> -> memref<25x80xi32, #tpu.memory_space<vmem>>
        %dma_wait3A_164 = arith.constant 0 : i32
        %dma_wait3A_165 = arith.constant 0 : i32
        %dma_wait3A_166 = tpu.memref_slice %arg4[%add3A, %add3A_149, %dma_wait3A_164, %dma_wait3A_165] : memref<32x5x25x80xi32, #tpu.memory_space<hbm>> -> memref<1x1x25x80xi32, #tpu.memory_space<hbm>>
        %dma_wait3A_167 = tpu.memref_squeeze %dma_wait3A_166 : memref<1x1x25x80xi32, #tpu.memory_space<hbm>> -> memref<25x80xi32, #tpu.memory_space<hbm>>
        tpu.wait_dma2 semaphore(%arg12 : memref<!tpu.dma_semaphore, #tpu.memory_space<semaphore_mem>>) src(%dma_wait3A_167 : memref<25x80xi32, #tpu.memory_space<hbm>>) dst(%dma_wait3A_163 : memref<25x80xi32, #tpu.memory_space<vmem>>)
      } else {
      }
      %add3A_111 = arith.constant 2 : i32
      %add3A_112 = arith.addi %scan3A_89, %add3A_111 : i32
      %lt3A_113 = arith.constant 125 : i32
      %lt3A_114 = arith.cmpi slt, %add3A_112, %lt3A_113 : i32
      %convert_element_type3A_115 = arith.extui %lt3A_114 : i1 to i32
      %cond3A_116 = arith.constant 0 : i32
      %cond3A_117 = arith.cmpi ne, %convert_element_type3A_115, %cond3A_116 : i32
      scf.if %cond3A_117 {
        %add3A_129 = arith.constant 2 : i32
        %add3A_130 = arith.addi %scan3A_89, %add3A_129 : i32
        %div3A_131 = arith.constant 25 : i32
        %div3A_132 = arith.divsi %add3A_130, %div3A_131 : i32
        %rem3A_133 = arith.constant 2 : i32
        %rem3A_134 = arith.remsi %div3A_132, %rem3A_133 : i32
        %rem3A_135 = arith.constant 25 : i32
        %rem3A_136 = arith.remsi %add3A_130, %rem3A_135 : i32
        %rem3A_137 = arith.constant 3 : i32
        %rem3A_138 = arith.remsi %add3A_130, %rem3A_137 : i32
        %dma_start3A_139 = arith.constant 0 : i32
        %dma_start3A_140 = arith.constant 0 : i32
        %dma_start3A_141 = tpu.memref_slice %arg9[%rem3A_138, %dma_start3A_139, %dma_start3A_140] : memref<3x80x128xf32, #tpu.memory_space<vmem>> -> memref<1x80x128xf32, #tpu.memory_space<vmem>>
        %dma_start3A_142 = tpu.memref_squeeze %dma_start3A_141 : memref<1x80x128xf32, #tpu.memory_space<vmem>> -> memref<80x128xf32, #tpu.memory_space<vmem>>
        %dma_start3A_143 = arith.constant 0 : i32
        %dma_start3A_144 = tpu.memref_slice %arg7[%rem3A_134, %rem3A_136, %dma_start3A_143] : memref<2x25x80xi32, #tpu.memory_space<vmem>> -> memref<1x1x80xi32, #tpu.memory_space<vmem>>
        %dma_start3A_145 = tpu.memref_squeeze %dma_start3A_144 : memref<1x1x80xi32, #tpu.memory_space<vmem>> -> memref<80xi32, #tpu.memory_space<vmem>>
        %dma_start3A_146 = arith.constant 0 : i32
        %dma_start3A_147 = arith.constant 0 : i32
        %dma_start3A_148 = tpu.memref_slice %arg2[%dma_start3A_146, %dma_start3A_147] : memref<10000x128xf32, #tpu.memory_space<hbm>> -> memref<10000x128xf32, #tpu.memory_space<hbm>>
        tpu.enqueue_indirect_dma source(%dma_start3A_148 : memref<10000x128xf32, #tpu.memory_space<hbm>>) target(%dma_start3A_142 : memref<80x128xf32, #tpu.memory_space<vmem>>) offsets(%dma_start3A_145 : memref<80xi32, #tpu.memory_space<vmem>>) semaphore(%arg11 : memref<!tpu.dma_semaphore, #tpu.memory_space<semaphore_mem>>)
      } else {
      }
      %rem3A_118 = arith.constant 3 : i32
      %rem3A_119 = arith.remsi %scan3A_89, %rem3A_118 : i32
      %dma_wait3A = arith.constant 0 : i32
      %dma_wait3A_120 = arith.constant 0 : i32
      %dma_wait3A_121 = tpu.memref_slice %arg9[%rem3A_119, %dma_wait3A, %dma_wait3A_120] : memref<3x80x128xf32, #tpu.memory_space<vmem>> -> memref<1x80x128xf32, #tpu.memory_space<vmem>>
      %dma_wait3A_122 = tpu.memref_squeeze %dma_wait3A_121 : memref<1x80x128xf32, #tpu.memory_space<vmem>> -> memref<80x128xf32, #tpu.memory_space<vmem>>
      %dma_wait3A_123 = arith.constant 0 : i32
      %dma_wait3A_124 = tpu.memref_slice %arg7[%rem3A_93, %rem3A_91, %dma_wait3A_123] : memref<2x25x80xi32, #tpu.memory_space<vmem>> -> memref<1x1x80xi32, #tpu.memory_space<vmem>>
      %dma_wait3A_125 = tpu.memref_squeeze %dma_wait3A_124 : memref<1x1x80xi32, #tpu.memory_space<vmem>> -> memref<80xi32, #tpu.memory_space<vmem>>
      %dma_wait3A_126 = arith.constant 0 : i32
      %dma_wait3A_127 = arith.constant 0 : i32
      %dma_wait3A_128 = tpu.memref_slice %arg2[%dma_wait3A_126, %dma_wait3A_127] : memref<10000x128xf32, #tpu.memory_space<hbm>> -> memref<10000x128xf32, #tpu.memory_space<hbm>>
      tpu.wait_indirect_dma semaphore(%arg11 : memref<!tpu.dma_semaphore, #tpu.memory_space<semaphore_mem>>) src(%dma_wait3A_128 : memref<10000x128xf32, #tpu.memory_space<hbm>>) dst(%dma_wait3A_122 : memref<80x128xf32, #tpu.memory_space<vmem>>)
      "tpu.region"() ({
        %run_scoped3A_129 = tpu.sem_alloc : memref<!tpu.dma_semaphore, #tpu.memory_space<semaphore_mem>>
        %dma_start3A_130 = arith.constant 0 : i32
        %dma_start3A_131 = arith.constant 0 : i32
        %dma_start3A_132 = tpu.memref_slice %arg9[%rem3A_119, %dma_start3A_130, %dma_start3A_131] : memref<3x80x128xf32, #tpu.memory_space<vmem>> -> memref<1x80x128xf32, #tpu.memory_space<vmem>>
        %dma_start3A_133 = tpu.memref_squeeze %dma_start3A_132 : memref<1x80x128xf32, #tpu.memory_space<vmem>> -> memref<80x128xf32, #tpu.memory_space<vmem>>
        %dma_start3A_134 = arith.constant 0 : i32
        %dma_start3A_135 = tpu.memref_slice %arg8[%rem3A_93, %rem3A_91, %dma_start3A_134] : memref<2x25x80xi32, #tpu.memory_space<vmem>> -> memref<1x1x80xi32, #tpu.memory_space<vmem>>
        %dma_start3A_136 = tpu.memref_squeeze %dma_start3A_135 : memref<1x1x80xi32, #tpu.memory_space<vmem>> -> memref<80xi32, #tpu.memory_space<vmem>>
        %dma_start3A_137 = arith.constant 0 : i32
        %dma_start3A_138 = arith.constant 0 : i32
        %dma_start3A_139 = tpu.memref_slice %arg10[%dma_start3A_137, %dma_start3A_138] : memref<10000x128xf32, #tpu.memory_space<vmem_shared>> -> memref<10000x128xf32, #tpu.memory_space<vmem_shared>>
        tpu.enqueue_indirect_dma source(%dma_start3A_133 : memref<80x128xf32, #tpu.memory_space<vmem>>) target(%dma_start3A_139 : memref<10000x128xf32, #tpu.memory_space<vmem_shared>>) offsets(%dma_start3A_136 : memref<80xi32, #tpu.memory_space<vmem>>) semaphore(%run_scoped3A_129 : memref<!tpu.dma_semaphore, #tpu.memory_space<semaphore_mem>>) {add = true}
        %dma_wait3A_140 = arith.constant 0 : i32
        %dma_wait3A_141 = arith.constant 0 : i32
        %dma_wait3A_142 = tpu.memref_slice %arg9[%rem3A_119, %dma_wait3A_140, %dma_wait3A_141] : memref<3x80x128xf32, #tpu.memory_space<vmem>> -> memref<1x80x128xf32, #tpu.memory_space<vmem>>
        %dma_wait3A_143 = tpu.memref_squeeze %dma_wait3A_142 : memref<1x80x128xf32, #tpu.memory_space<vmem>> -> memref<80x128xf32, #tpu.memory_space<vmem>>
        %dma_wait3A_144 = arith.constant 0 : i32
        %dma_wait3A_145 = tpu.memref_slice %arg8[%rem3A_93, %rem3A_91, %dma_wait3A_144] : memref<2x25x80xi32, #tpu.memory_space<vmem>> -> memref<1x1x80xi32, #tpu.memory_space<vmem>>
        %dma_wait3A_146 = tpu.memref_squeeze %dma_wait3A_145 : memref<1x1x80xi32, #tpu.memory_space<vmem>> -> memref<80xi32, #tpu.memory_space<vmem>>
        %dma_wait3A_147 = arith.constant 0 : i32
        %dma_wait3A_148 = arith.constant 0 : i32
        %dma_wait3A_149 = tpu.memref_slice %arg10[%dma_wait3A_147, %dma_wait3A_148] : memref<10000x128xf32, #tpu.memory_space<vmem_shared>> -> memref<10000x128xf32, #tpu.memory_space<vmem_shared>>
        tpu.wait_indirect_dma semaphore(%run_scoped3A_129 : memref<!tpu.dma_semaphore, #tpu.memory_space<semaphore_mem>>) src(%dma_wait3A_143 : memref<80x128xf32, #tpu.memory_space<vmem>>) dst(%dma_wait3A_149 : memref<10000x128xf32, #tpu.memory_space<vmem_shared>>)
        tpu.yield
      }) : () -> ()
    }
    %scan3A_77 = arith.constant 125 : i32
    %barrier3A_78 = arith.constant 0 : index
    tpu.barrier barrier_id(%barrier3A_78)
    %lt3A_79 = arith.constant 15 : i32
    %lt3A_80 = arith.cmpi slt, %arg1, %lt3A_79 : i32
    %convert_element_type3A_81 = arith.extui %lt3A_80 : i1 to i32
    %cond3A_82 = arith.constant 0 : i32
    %cond3A_83 = arith.cmpi ne, %convert_element_type3A_81, %cond3A_82 : i32
    scf.if %cond3A_83 {
      "tpu.region"() ({
        %run_scoped3A_89 = tpu.sem_alloc : memref<!tpu.dma_semaphore, #tpu.memory_space<semaphore_mem>>
        %dma_start3A_90 = arith.constant 0 : i32
        %dma_start3A_91 = tpu.memref_slice %arg6[%arg0, %multiple_of3A, %dma_start3A_90] : memref<2x10000x128xf32, #tpu.memory_space<hbm>> -> memref<1x640x128xf32, #tpu.memory_space<hbm>>
        %dma_start3A_92 = tpu.memref_squeeze %dma_start3A_91 : memref<1x640x128xf32, #tpu.memory_space<hbm>> -> memref<640x128xf32, #tpu.memory_space<hbm>>
        %dma_start3A_93 = arith.constant 0 : i32
        %dma_start3A_94 = tpu.memref_slice %arg10[%multiple_of3A, %dma_start3A_93] : memref<10000x128xf32, #tpu.memory_space<vmem_shared>> -> memref<640x128xf32, #tpu.memory_space<vmem_shared>>
        tpu.enqueue_dma source(%dma_start3A_94 : memref<640x128xf32, #tpu.memory_space<vmem_shared>>) target(%dma_start3A_92 : memref<640x128xf32, #tpu.memory_space<hbm>>) target_semaphore(%run_scoped3A_89 : memref<!tpu.dma_semaphore, #tpu.memory_space<semaphore_mem>>)
        %dma_wait3A = arith.constant 0 : i32
        %dma_wait3A_95 = tpu.memref_slice %arg6[%arg0, %multiple_of3A, %dma_wait3A] : memref<2x10000x128xf32, #tpu.memory_space<hbm>> -> memref<1x640x128xf32, #tpu.memory_space<hbm>>
        %dma_wait3A_96 = tpu.memref_squeeze %dma_wait3A_95 : memref<1x640x128xf32, #tpu.memory_space<hbm>> -> memref<640x128xf32, #tpu.memory_space<hbm>>
        %dma_wait3A_97 = arith.constant 0 : i32
        %dma_wait3A_98 = tpu.memref_slice %arg10[%multiple_of3A, %dma_wait3A_97] : memref<10000x128xf32, #tpu.memory_space<vmem_shared>> -> memref<640x128xf32, #tpu.memory_space<vmem_shared>>
        tpu.wait_dma2 semaphore(%run_scoped3A_89 : memref<!tpu.dma_semaphore, #tpu.memory_space<semaphore_mem>>) src(%dma_wait3A_98 : memref<640x128xf32, #tpu.memory_space<vmem_shared>>) dst(%dma_wait3A_96 : memref<640x128xf32, #tpu.memory_space<hbm>>)
        tpu.yield
      }) : () -> ()
    } else {
    }
    %eq3A_84 = arith.constant 15 : i32
    %eq3A_85 = arith.cmpi eq, %arg1, %eq3A_84 : i32
    %convert_element_type3A_86 = arith.extui %eq3A_85 : i1 to i32
    %cond3A_87 = arith.constant 0 : i32
    %cond3A_88 = arith.cmpi ne, %convert_element_type3A_86, %cond3A_87 : i32
    scf.if %cond3A_88 {
      "tpu.region"() ({
        %run_scoped3A_89 = tpu.sem_alloc : memref<!tpu.dma_semaphore, #tpu.memory_space<semaphore_mem>>
        %dma_start3A_90 = arith.constant 0 : i32
        %dma_start3A_91 = tpu.memref_slice %arg6[%arg0, %multiple_of3A, %dma_start3A_90] : memref<2x10000x128xf32, #tpu.memory_space<hbm>> -> memref<1x400x128xf32, #tpu.memory_space<hbm>>
        %dma_start3A_92 = tpu.memref_squeeze %dma_start3A_91 : memref<1x400x128xf32, #tpu.memory_space<hbm>> -> memref<400x128xf32, #tpu.memory_space<hbm>>
        %dma_start3A_93 = arith.constant 0 : i32
        %dma_start3A_94 = tpu.memref_slice %arg10[%multiple_of3A, %dma_start3A_93] : memref<10000x128xf32, #tpu.memory_space<vmem_shared>> -> memref<400x128xf32, #tpu.memory_space<vmem_shared>>
        tpu.enqueue_dma source(%dma_start3A_94 : memref<400x128xf32, #tpu.memory_space<vmem_shared>>) target(%dma_start3A_92 : memref<400x128xf32, #tpu.memory_space<hbm>>) target_semaphore(%run_scoped3A_89 : memref<!tpu.dma_semaphore, #tpu.memory_space<semaphore_mem>>)
        %dma_wait3A = arith.constant 0 : i32
        %dma_wait3A_95 = tpu.memref_slice %arg6[%arg0, %multiple_of3A, %dma_wait3A] : memref<2x10000x128xf32, #tpu.memory_space<hbm>> -> memref<1x400x128xf32, #tpu.memory_space<hbm>>
        %dma_wait3A_96 = tpu.memref_squeeze %dma_wait3A_95 : memref<1x400x128xf32, #tpu.memory_space<hbm>> -> memref<400x128xf32, #tpu.memory_space<hbm>>
        %dma_wait3A_97 = arith.constant 0 : i32
        %dma_wait3A_98 = tpu.memref_slice %arg10[%multiple_of3A, %dma_wait3A_97] : memref<10000x128xf32, #tpu.memory_space<vmem_shared>> -> memref<400x128xf32, #tpu.memory_space<vmem_shared>>
        tpu.wait_dma2 semaphore(%run_scoped3A_89 : memref<!tpu.dma_semaphore, #tpu.memory_space<semaphore_mem>>) src(%dma_wait3A_98 : memref<400x128xf32, #tpu.memory_space<vmem_shared>>) dst(%dma_wait3A_96 : memref<400x128xf32, #tpu.memory_space<hbm>>)
        tpu.yield
      }) : () -> ()
    } else {
    }
    return
  }
}

#map = affine_map<(d0, d1) -> (0, 0)>
#map1 = affine_map<(d0, d1) -> (0, 0, 0, 0)>
#map2 = affine_map<(d0, d1) -> (0, 0, 0)>
module attributes {stable_mosaic.version = 14 : i64} {
  func.func @body(%arg0: i32, %arg1: i32, %arg2: memref<10000x128xf32, #tpu.memory_space<hbm>>, %arg3: memref<32x5x25x80xi32, #tpu.memory_space<hbm>>, %arg4: memref<32x5x25x80xi32, #tpu.memory_space<hbm>>, %arg5: memref<640x128xf32, #tpu.memory_space<hbm>>, %arg6: memref<2x10000x128xf32, #tpu.memory_space<hbm>>, %arg7: memref<2x25x80xi32, #tpu.memory_space<vmem>>, %arg8: memref<2x25x80xi32, #tpu.memory_space<vmem>>, %arg9: memref<3x80x128xf32, #tpu.memory_space<vmem>>, %arg10: memref<10000x128xf32, #tpu.memory_space<vmem_shared>>, %arg11: memref<!tpu.dma_semaphore, #tpu.memory_space<semaphore_mem>>, %arg12: memref<!tpu.dma_semaphore, #tpu.memory_space<semaphore_mem>>) attributes {dimension_semantics = [#tpu.dimension_semantics<core_parallel>, #tpu.dimension_semantics<subcore_parallel>], iteration_bounds = array<i64: 2, 16>, scalar_prefetch = 0 : i64, scratch_operands = 6 : i64, tpu.core_type = #tpu.core_type<sc_vector_subcore>, window_params = [{transform_indices = #map}, {transform_indices = #map1}, {transform_indices = #map1}, {transform_indices = #map}, {transform_indices = #map2}]} {
    %mul3A = arith.constant 2 : i32
    %mul3A_0 = arith.muli %arg1, %mul3A : i32
    %add3A = arith.addi %mul3A_0, %arg0 : i32
    %mul3A_1 = arith.constant 640 : i32
    %mul3A_2 = arith.muli %arg1, %mul3A_1 : i32
    %multiple_of3A = tpu.assume_multiple %mul3A_2, 8 : i32
    %lt3A = arith.constant 15 : i32
    %lt3A_3 = arith.cmpi slt, %arg1, %lt3A : i32
    %convert_element_type3A = arith.extui %lt3A_3 : i1 to i32
    %cond3A = arith.constant 0 : i32
    %cond3A_4 = arith.cmpi ne, %convert_element_type3A, %cond3A : i32
    scf.if %cond3A_4 {
      "tpu.region"() ({
        %run_scoped3A_89 = tpu.sem_alloc : memref<!tpu.dma_semaphore, #tpu.memory_space<semaphore_mem>>
        %dma_start3A_90 = arith.constant 0 : i32
        %dma_start3A_91 = tpu.memref_slice %arg10[%multiple_of3A, %dma_start3A_90] : memref<10000x128xf32, #tpu.memory_space<vmem_shared>> -> memref<640x128xf32, #tpu.memory_space<vmem_shared>>
        %dma_start3A_92 = arith.constant 0 : i32
        %dma_start3A_93 = arith.constant 0 : i32
        %dma_start3A_94 = tpu.memref_slice %arg5[%dma_start3A_92, %dma_start3A_93] : memref<640x128xf32, #tpu.memory_space<hbm>> -> memref<640x128xf32, #tpu.memory_space<hbm>>
        tpu.enqueue_dma source(%dma_start3A_94 : memref<640x128xf32, #tpu.memory_space<hbm>>) target(%dma_start3A_91 : memref<640x128xf32, #tpu.memory_space<vmem_shared>>) target_semaphore(%run_scoped3A_89 : memref<!tpu.dma_semaphore, #tpu.memory_space<semaphore_mem>>)
        %dma_wait3A = arith.constant 0 : i32
        %dma_wait3A_95 = tpu.memref_slice %arg10[%multiple_of3A, %dma_wait3A] : memref<10000x128xf32, #tpu.memory_space<vmem_shared>> -> memref<640x128xf32, #tpu.memory_space<vmem_shared>>
        %dma_wait3A_96 = arith.constant 0 : i32
        %dma_wait3A_97 = arith.constant 0 : i32
        %dma_wait3A_98 = tpu.memref_slice %arg5[%dma_wait3A_96, %dma_wait3A_97] : memref<640x128xf32, #tpu.memory_space<hbm>> -> memref<640x128xf32, #tpu.memory_space<hbm>>
        tpu.wait_dma2 semaphore(%run_scoped3A_89 : memref<!tpu.dma_semaphore, #tpu.memory_space<semaphore_mem>>) src(%dma_wait3A_98 : memref<640x128xf32, #tpu.memory_space<hbm>>) dst(%dma_wait3A_95 : memref<640x128xf32, #tpu.memory_space<vmem_shared>>)
        tpu.yield
      }) : () -> ()
    } else {
    }
    %eq3A = arith.constant 15 : i32
    %eq3A_5 = arith.cmpi eq, %arg1, %eq3A : i32
    %convert_element_type3A_6 = arith.extui %eq3A_5 : i1 to i32
    %cond3A_7 = arith.constant 0 : i32
    %cond3A_8 = arith.cmpi ne, %convert_element_type3A_6, %cond3A_7 : i32
    scf.if %cond3A_8 {
      "tpu.region"() ({
        %run_scoped3A_89 = tpu.sem_alloc : memref<!tpu.dma_semaphore, #tpu.memory_space<semaphore_mem>>
        %dma_start3A_90 = arith.constant 0 : i32
        %dma_start3A_91 = tpu.memref_slice %arg10[%multiple_of3A, %dma_start3A_90] : memref<10000x128xf32, #tpu.memory_space<vmem_shared>> -> memref<400x128xf32, #tpu.memory_space<vmem_shared>>
        %dma_start3A_92 = arith.constant 0 : i32
        %dma_start3A_93 = arith.constant 0 : i32
        %dma_start3A_94 = tpu.memref_slice %arg5[%dma_start3A_92, %dma_start3A_93] : memref<640x128xf32, #tpu.memory_space<hbm>> -> memref<400x128xf32, #tpu.memory_space<hbm>>
        tpu.enqueue_dma source(%dma_start3A_94 : memref<400x128xf32, #tpu.memory_space<hbm>>) target(%dma_start3A_91 : memref<400x128xf32, #tpu.memory_space<vmem_shared>>) target_semaphore(%run_scoped3A_89 : memref<!tpu.dma_semaphore, #tpu.memory_space<semaphore_mem>>)
        %dma_wait3A = arith.constant 0 : i32
        %dma_wait3A_95 = tpu.memref_slice %arg10[%multiple_of3A, %dma_wait3A] : memref<10000x128xf32, #tpu.memory_space<vmem_shared>> -> memref<400x128xf32, #tpu.memory_space<vmem_shared>>
        %dma_wait3A_96 = arith.constant 0 : i32
        %dma_wait3A_97 = arith.constant 0 : i32
        %dma_wait3A_98 = tpu.memref_slice %arg5[%dma_wait3A_96, %dma_wait3A_97] : memref<640x128xf32, #tpu.memory_space<hbm>> -> memref<400x128xf32, #tpu.memory_space<hbm>>
        tpu.wait_dma2 semaphore(%run_scoped3A_89 : memref<!tpu.dma_semaphore, #tpu.memory_space<semaphore_mem>>) src(%dma_wait3A_98 : memref<400x128xf32, #tpu.memory_space<hbm>>) dst(%dma_wait3A_95 : memref<400x128xf32, #tpu.memory_space<vmem_shared>>)
        tpu.yield
      }) : () -> ()
    } else {
    }
    %run_scoped3A = arith.constant 0 : i32
    %run_scoped3A_9 = arith.constant 0 : i32
    "tpu.region"() ({
      %run_scoped3A_89 = tpu.sem_alloc : memref<!tpu.dma_semaphore, #tpu.memory_space<semaphore_mem>>
      %dma_start3A_90 = arith.constant 0 : i32
      %dma_start3A_91 = arith.constant 0 : i32
      %dma_start3A_92 = tpu.memref_slice %arg7[%run_scoped3A_9, %dma_start3A_90, %dma_start3A_91] : memref<2x25x80xi32, #tpu.memory_space<vmem>> -> memref<1x25x80xi32, #tpu.memory_space<vmem>>
      %dma_start3A_93 = tpu.memref_squeeze %dma_start3A_92 : memref<1x25x80xi32, #tpu.memory_space<vmem>> -> memref<25x80xi32, #tpu.memory_space<vmem>>
      %dma_start3A_94 = arith.constant 0 : i32
      %dma_start3A_95 = arith.constant 0 : i32
      %dma_start3A_96 = tpu.memref_slice %arg3[%add3A, %run_scoped3A, %dma_start3A_94, %dma_start3A_95] : memref<32x5x25x80xi32, #tpu.memory_space<hbm>> -> memref<1x1x25x80xi32, #tpu.memory_space<hbm>>
      %dma_start3A_97 = tpu.memref_squeeze %dma_start3A_96 : memref<1x1x25x80xi32, #tpu.memory_space<hbm>> -> memref<25x80xi32, #tpu.memory_space<hbm>>
      %dma_start3A_98 = arith.constant 0 : i32
      %dma_start3A_99 = arith.constant 0 : i32
      %dma_start3A_100 = tpu.memref_slice %arg7[%run_scoped3A_9, %dma_start3A_98, %dma_start3A_99] : memref<2x25x80xi32, #tpu.memory_space<vmem>> -> memref<1x25x80xi32, #tpu.memory_space<vmem>>
      %dma_start3A_101 = tpu.memref_squeeze %dma_start3A_100 : memref<1x25x80xi32, #tpu.memory_space<vmem>> -> memref<25x80xi32, #tpu.memory_space<vmem>>
      %dma_start3A_102 = arith.constant 0 : i32
      %dma_start3A_103 = arith.constant 0 : i32
      %dma_start3A_104 = tpu.memref_slice %arg3[%add3A, %run_scoped3A, %dma_start3A_102, %dma_start3A_103] : memref<32x5x25x80xi32, #tpu.memory_space<hbm>> -> memref<1x1x25x80xi32, #tpu.memory_space<hbm>>
      %dma_start3A_105 = tpu.memref_squeeze %dma_start3A_104 : memref<1x1x25x80xi32, #tpu.memory_space<hbm>> -> memref<25x80xi32, #tpu.memory_space<hbm>>
      tpu.enqueue_dma source(%dma_start3A_105 : memref<25x80xi32, #tpu.memory_space<hbm>>) target(%dma_start3A_101 : memref<25x80xi32, #tpu.memory_space<vmem>>) target_semaphore(%run_scoped3A_89 : memref<!tpu.dma_semaphore, #tpu.memory_space<semaphore_mem>>)
      %dma_wait3A = arith.constant 0 : i32
      %dma_wait3A_106 = arith.constant 0 : i32
      %dma_wait3A_107 = tpu.memref_slice %arg7[%run_scoped3A_9, %dma_wait3A, %dma_wait3A_106] : memref<2x25x80xi32, #tpu.memory_space<vmem>> -> memref<1x25x80xi32, #tpu.memory_space<vmem>>
      %dma_wait3A_108 = tpu.memref_squeeze %dma_wait3A_107 : memref<1x25x80xi32, #tpu.memory_space<vmem>> -> memref<25x80xi32, #tpu.memory_space<vmem>>
      %dma_wait3A_109 = arith.constant 0 : i32
      %dma_wait3A_110 = arith.constant 0 : i32
      %dma_wait3A_111 = tpu.memref_slice %arg3[%add3A, %run_scoped3A, %dma_wait3A_109, %dma_wait3A_110] : memref<32x5x25x80xi32, #tpu.memory_space<hbm>> -> memref<1x1x25x80xi32, #tpu.memory_space<hbm>>
      %dma_wait3A_112 = tpu.memref_squeeze %dma_wait3A_111 : memref<1x1x25x80xi32, #tpu.memory_space<hbm>> -> memref<25x80xi32, #tpu.memory_space<hbm>>
      %dma_wait3A_113 = arith.constant 0 : i32
      %dma_wait3A_114 = arith.constant 0 : i32
      %dma_wait3A_115 = tpu.memref_slice %arg7[%run_scoped3A_9, %dma_wait3A_113, %dma_wait3A_114] : memref<2x25x80xi32, #tpu.memory_space<vmem>> -> memref<1x25x80xi32, #tpu.memory_space<vmem>>
      %dma_wait3A_116 = tpu.memref_squeeze %dma_wait3A_115 : memref<1x25x80xi32, #tpu.memory_space<vmem>> -> memref<25x80xi32, #tpu.memory_space<vmem>>
      %dma_wait3A_117 = arith.constant 0 : i32
      %dma_wait3A_118 = arith.constant 0 : i32
      %dma_wait3A_119 = tpu.memref_slice %arg3[%add3A, %run_scoped3A, %dma_wait3A_117, %dma_wait3A_118] : memref<32x5x25x80xi32, #tpu.memory_space<hbm>> -> memref<1x1x25x80xi32, #tpu.memory_space<hbm>>
      %dma_wait3A_120 = tpu.memref_squeeze %dma_wait3A_119 : memref<1x1x25x80xi32, #tpu.memory_space<hbm>> -> memref<25x80xi32, #tpu.memory_space<hbm>>
      tpu.wait_dma2 semaphore(%run_scoped3A_89 : memref<!tpu.dma_semaphore, #tpu.memory_space<semaphore_mem>>) src(%dma_wait3A_120 : memref<25x80xi32, #tpu.memory_space<hbm>>) dst(%dma_wait3A_116 : memref<25x80xi32, #tpu.memory_space<vmem>>)
      tpu.yield
    }) : () -> ()
    %run_scoped3A_10 = arith.constant 0 : i32
    %run_scoped3A_11 = arith.constant 0 : i32
    "tpu.region"() ({
      %run_scoped3A_89 = tpu.sem_alloc : memref<!tpu.dma_semaphore, #tpu.memory_space<semaphore_mem>>
      %dma_start3A_90 = arith.constant 0 : i32
      %dma_start3A_91 = arith.constant 0 : i32
      %dma_start3A_92 = tpu.memref_slice %arg8[%run_scoped3A_11, %dma_start3A_90, %dma_start3A_91] : memref<2x25x80xi32, #tpu.memory_space<vmem>> -> memref<1x25x80xi32, #tpu.memory_space<vmem>>
      %dma_start3A_93 = tpu.memref_squeeze %dma_start3A_92 : memref<1x25x80xi32, #tpu.memory_space<vmem>> -> memref<25x80xi32, #tpu.memory_space<vmem>>
      %dma_start3A_94 = arith.constant 0 : i32
      %dma_start3A_95 = arith.constant 0 : i32
      %dma_start3A_96 = tpu.memref_slice %arg4[%add3A, %run_scoped3A_10, %dma_start3A_94, %dma_start3A_95] : memref<32x5x25x80xi32, #tpu.memory_space<hbm>> -> memref<1x1x25x80xi32, #tpu.memory_space<hbm>>
      %dma_start3A_97 = tpu.memref_squeeze %dma_start3A_96 : memref<1x1x25x80xi32, #tpu.memory_space<hbm>> -> memref<25x80xi32, #tpu.memory_space<hbm>>
      %dma_start3A_98 = arith.constant 0 : i32
      %dma_start3A_99 = arith.constant 0 : i32
      %dma_start3A_100 = tpu.memref_slice %arg8[%run_scoped3A_11, %dma_start3A_98, %dma_start3A_99] : memref<2x25x80xi32, #tpu.memory_space<vmem>> -> memref<1x25x80xi32, #tpu.memory_space<vmem>>
      %dma_start3A_101 = tpu.memref_squeeze %dma_start3A_100 : memref<1x25x80xi32, #tpu.memory_space<vmem>> -> memref<25x80xi32, #tpu.memory_space<vmem>>
      %dma_start3A_102 = arith.constant 0 : i32
      %dma_start3A_103 = arith.constant 0 : i32
      %dma_start3A_104 = tpu.memref_slice %arg4[%add3A, %run_scoped3A_10, %dma_start3A_102, %dma_start3A_103] : memref<32x5x25x80xi32, #tpu.memory_space<hbm>> -> memref<1x1x25x80xi32, #tpu.memory_space<hbm>>
      %dma_start3A_105 = tpu.memref_squeeze %dma_start3A_104 : memref<1x1x25x80xi32, #tpu.memory_space<hbm>> -> memref<25x80xi32, #tpu.memory_space<hbm>>
      tpu.enqueue_dma source(%dma_start3A_105 : memref<25x80xi32, #tpu.memory_space<hbm>>) target(%dma_start3A_101 : memref<25x80xi32, #tpu.memory_space<vmem>>) target_semaphore(%run_scoped3A_89 : memref<!tpu.dma_semaphore, #tpu.memory_space<semaphore_mem>>)
      %dma_wait3A = arith.constant 0 : i32
      %dma_wait3A_106 = arith.constant 0 : i32
      %dma_wait3A_107 = tpu.memref_slice %arg8[%run_scoped3A_11, %dma_wait3A, %dma_wait3A_106] : memref<2x25x80xi32, #tpu.memory_space<vmem>> -> memref<1x25x80xi32, #tpu.memory_space<vmem>>
      %dma_wait3A_108 = tpu.memref_squeeze %dma_wait3A_107 : memref<1x25x80xi32, #tpu.memory_space<vmem>> -> memref<25x80xi32, #tpu.memory_space<vmem>>
      %dma_wait3A_109 = arith.constant 0 : i32
      %dma_wait3A_110 = arith.constant 0 : i32
      %dma_wait3A_111 = tpu.memref_slice %arg4[%add3A, %run_scoped3A_10, %dma_wait3A_109, %dma_wait3A_110] : memref<32x5x25x80xi32, #tpu.memory_space<hbm>> -> memref<1x1x25x80xi32, #tpu.memory_space<hbm>>
      %dma_wait3A_112 = tpu.memref_squeeze %dma_wait3A_111 : memref<1x1x25x80xi32, #tpu.memory_space<hbm>> -> memref<25x80xi32, #tpu.memory_space<hbm>>
      %dma_wait3A_113 = arith.constant 0 : i32
      %dma_wait3A_114 = arith.constant 0 : i32
      %dma_wait3A_115 = tpu.memref_slice %arg8[%run_scoped3A_11, %dma_wait3A_113, %dma_wait3A_114] : memref<2x25x80xi32, #tpu.memory_space<vmem>> -> memref<1x25x80xi32, #tpu.memory_space<vmem>>
      %dma_wait3A_116 = tpu.memref_squeeze %dma_wait3A_115 : memref<1x25x80xi32, #tpu.memory_space<vmem>> -> memref<25x80xi32, #tpu.memory_space<vmem>>
      %dma_wait3A_117 = arith.constant 0 : i32
      %dma_wait3A_118 = arith.constant 0 : i32
      %dma_wait3A_119 = tpu.memref_slice %arg4[%add3A, %run_scoped3A_10, %dma_wait3A_117, %dma_wait3A_118] : memref<32x5x25x80xi32, #tpu.memory_space<hbm>> -> memref<1x1x25x80xi32, #tpu.memory_space<hbm>>
      %dma_wait3A_120 = tpu.memref_squeeze %dma_wait3A_119 : memref<1x1x25x80xi32, #tpu.memory_space<hbm>> -> memref<25x80xi32, #tpu.memory_space<hbm>>
      tpu.wait_dma2 semaphore(%run_scoped3A_89 : memref<!tpu.dma_semaphore, #tpu.memory_space<semaphore_mem>>) src(%dma_wait3A_120 : memref<25x80xi32, #tpu.memory_space<hbm>>) dst(%dma_wait3A_116 : memref<25x80xi32, #tpu.memory_space<vmem>>)
      tpu.yield
    }) : () -> ()
    %dma_start3A = arith.constant 1 : i32
    %dma_start3A_12 = arith.constant 1 : i32
    %dma_start3A_13 = arith.constant 0 : i32
    %dma_start3A_14 = arith.constant 0 : i32
    %dma_start3A_15 = tpu.memref_slice %arg7[%dma_start3A_12, %dma_start3A_13, %dma_start3A_14] : memref<2x25x80xi32, #tpu.memory_space<vmem>> -> memref<1x25x80xi32, #tpu.memory_space<vmem>>
    %dma_start3A_16 = tpu.memref_squeeze %dma_start3A_15 : memref<1x25x80xi32, #tpu.memory_space<vmem>> -> memref<25x80xi32, #tpu.memory_space<vmem>>
    %dma_start3A_17 = arith.constant 0 : i32
    %dma_start3A_18 = arith.constant 0 : i32
    %dma_start3A_19 = tpu.memref_slice %arg3[%add3A, %dma_start3A, %dma_start3A_17, %dma_start3A_18] : memref<32x5x25x80xi32, #tpu.memory_space<hbm>> -> memref<1x1x25x80xi32, #tpu.memory_space<hbm>>
    %dma_start3A_20 = tpu.memref_squeeze %dma_start3A_19 : memref<1x1x25x80xi32, #tpu.memory_space<hbm>> -> memref<25x80xi32, #tpu.memory_space<hbm>>
    %dma_start3A_21 = arith.constant 0 : i32
    %dma_start3A_22 = arith.constant 0 : i32
    %dma_start3A_23 = tpu.memref_slice %arg7[%dma_start3A_12, %dma_start3A_21, %dma_start3A_22] : memref<2x25x80xi32, #tpu.memory_space<vmem>> -> memref<1x25x80xi32, #tpu.memory_space<vmem>>
    %dma_start3A_24 = tpu.memref_squeeze %dma_start3A_23 : memref<1x25x80xi32, #tpu.memory_space<vmem>> -> memref<25x80xi32, #tpu.memory_space<vmem>>
    %dma_start3A_25 = arith.constant 0 : i32
    %dma_start3A_26 = arith.constant 0 : i32
    %dma_start3A_27 = tpu.memref_slice %arg3[%add3A, %dma_start3A, %dma_start3A_25, %dma_start3A_26] : memref<32x5x25x80xi32, #tpu.memory_space<hbm>> -> memref<1x1x25x80xi32, #tpu.memory_space<hbm>>
    %dma_start3A_28 = tpu.memref_squeeze %dma_start3A_27 : memref<1x1x25x80xi32, #tpu.memory_space<hbm>> -> memref<25x80xi32, #tpu.memory_space<hbm>>
    tpu.enqueue_dma source(%dma_start3A_28 : memref<25x80xi32, #tpu.memory_space<hbm>>) target(%dma_start3A_24 : memref<25x80xi32, #tpu.memory_space<vmem>>) target_semaphore(%arg12 : memref<!tpu.dma_semaphore, #tpu.memory_space<semaphore_mem>>)
    %dma_start3A_29 = arith.constant 1 : i32
    %dma_start3A_30 = arith.constant 1 : i32
    %dma_start3A_31 = arith.constant 0 : i32
    %dma_start3A_32 = arith.constant 0 : i32
    %dma_start3A_33 = tpu.memref_slice %arg8[%dma_start3A_30, %dma_start3A_31, %dma_start3A_32] : memref<2x25x80xi32, #tpu.memory_space<vmem>> -> memref<1x25x80xi32, #tpu.memory_space<vmem>>
    %dma_start3A_34 = tpu.memref_squeeze %dma_start3A_33 : memref<1x25x80xi32, #tpu.memory_space<vmem>> -> memref<25x80xi32, #tpu.memory_space<vmem>>
    %dma_start3A_35 = arith.constant 0 : i32
    %dma_start3A_36 = arith.constant 0 : i32
    %dma_start3A_37 = tpu.memref_slice %arg4[%add3A, %dma_start3A_29, %dma_start3A_35, %dma_start3A_36] : memref<32x5x25x80xi32, #tpu.memory_space<hbm>> -> memref<1x1x25x80xi32, #tpu.memory_space<hbm>>
    %dma_start3A_38 = tpu.memref_squeeze %dma_start3A_37 : memref<1x1x25x80xi32, #tpu.memory_space<hbm>> -> memref<25x80xi32, #tpu.memory_space<hbm>>
    %dma_start3A_39 = arith.constant 0 : i32
    %dma_start3A_40 = arith.constant 0 : i32
    %dma_start3A_41 = tpu.memref_slice %arg8[%dma_start3A_30, %dma_start3A_39, %dma_start3A_40] : memref<2x25x80xi32, #tpu.memory_space<vmem>> -> memref<1x25x80xi32, #tpu.memory_space<vmem>>
    %dma_start3A_42 = tpu.memref_squeeze %dma_start3A_41 : memref<1x25x80xi32, #tpu.memory_space<vmem>> -> memref<25x80xi32, #tpu.memory_space<vmem>>
    %dma_start3A_43 = arith.constant 0 : i32
    %dma_start3A_44 = arith.constant 0 : i32
    %dma_start3A_45 = tpu.memref_slice %arg4[%add3A, %dma_start3A_29, %dma_start3A_43, %dma_start3A_44] : memref<32x5x25x80xi32, #tpu.memory_space<hbm>> -> memref<1x1x25x80xi32, #tpu.memory_space<hbm>>
    %dma_start3A_46 = tpu.memref_squeeze %dma_start3A_45 : memref<1x1x25x80xi32, #tpu.memory_space<hbm>> -> memref<25x80xi32, #tpu.memory_space<hbm>>
    tpu.enqueue_dma source(%dma_start3A_46 : memref<25x80xi32, #tpu.memory_space<hbm>>) target(%dma_start3A_42 : memref<25x80xi32, #tpu.memory_space<vmem>>) target_semaphore(%arg12 : memref<!tpu.dma_semaphore, #tpu.memory_space<semaphore_mem>>)
    %barrier3A = arith.constant 0 : index
    tpu.barrier barrier_id(%barrier3A)
    %dma_start3A_47 = arith.constant 0 : i32
    %dma_start3A_48 = arith.constant 0 : i32
    %dma_start3A_49 = arith.constant 0 : i32
    %dma_start3A_50 = arith.constant 0 : i32
    %dma_start3A_51 = arith.constant 0 : i32
    %dma_start3A_52 = tpu.memref_slice %arg9[%dma_start3A_49, %dma_start3A_50, %dma_start3A_51] : memref<3x80x128xf32, #tpu.memory_space<vmem>> -> memref<1x80x128xf32, #tpu.memory_space<vmem>>
    %dma_start3A_53 = tpu.memref_squeeze %dma_start3A_52 : memref<1x80x128xf32, #tpu.memory_space<vmem>> -> memref<80x128xf32, #tpu.memory_space<vmem>>
    %dma_start3A_54 = arith.constant 0 : i32
    %dma_start3A_55 = tpu.memref_slice %arg7[%dma_start3A_47, %dma_start3A_48, %dma_start3A_54] : memref<2x25x80xi32, #tpu.memory_space<vmem>> -> memref<1x1x80xi32, #tpu.memory_space<vmem>>
    %dma_start3A_56 = tpu.memref_squeeze %dma_start3A_55 : memref<1x1x80xi32, #tpu.memory_space<vmem>> -> memref<80xi32, #tpu.memory_space<vmem>>
    %dma_start3A_57 = arith.constant 0 : i32
    %dma_start3A_58 = arith.constant 0 : i32
    %dma_start3A_59 = tpu.memref_slice %arg2[%dma_start3A_57, %dma_start3A_58] : memref<10000x128xf32, #tpu.memory_space<hbm>> -> memref<10000x128xf32, #tpu.memory_space<hbm>>
    tpu.enqueue_indirect_dma source(%dma_start3A_59 : memref<10000x128xf32, #tpu.memory_space<hbm>>) target(%dma_start3A_53 : memref<80x128xf32, #tpu.memory_space<vmem>>) offsets(%dma_start3A_56 : memref<80xi32, #tpu.memory_space<vmem>>) semaphore(%arg11 : memref<!tpu.dma_semaphore, #tpu.memory_space<semaphore_mem>>)
    %dma_start3A_60 = arith.constant 0 : i32
    %dma_start3A_61 = arith.constant 1 : i32
    %dma_start3A_62 = arith.constant 1 : i32
    %dma_start3A_63 = arith.constant 0 : i32
    %dma_start3A_64 = arith.constant 0 : i32
    %dma_start3A_65 = tpu.memref_slice %arg9[%dma_start3A_62, %dma_start3A_63, %dma_start3A_64] : memref<3x80x128xf32, #tpu.memory_space<vmem>> -> memref<1x80x128xf32, #tpu.memory_space<vmem>>
    %dma_start3A_66 = tpu.memref_squeeze %dma_start3A_65 : memref<1x80x128xf32, #tpu.memory_space<vmem>> -> memref<80x128xf32, #tpu.memory_space<vmem>>
    %dma_start3A_67 = arith.constant 0 : i32
    %dma_start3A_68 = tpu.memref_slice %arg7[%dma_start3A_60, %dma_start3A_61, %dma_start3A_67] : memref<2x25x80xi32, #tpu.memory_space<vmem>> -> memref<1x1x80xi32, #tpu.memory_space<vmem>>
    %dma_start3A_69 = tpu.memref_squeeze %dma_start3A_68 : memref<1x1x80xi32, #tpu.memory_space<vmem>> -> memref<80xi32, #tpu.memory_space<vmem>>
    %dma_start3A_70 = arith.constant 0 : i32
    %dma_start3A_71 = arith.constant 0 : i32
    %dma_start3A_72 = tpu.memref_slice %arg2[%dma_start3A_70, %dma_start3A_71] : memref<10000x128xf32, #tpu.memory_space<hbm>> -> memref<10000x128xf32, #tpu.memory_space<hbm>>
    tpu.enqueue_indirect_dma source(%dma_start3A_72 : memref<10000x128xf32, #tpu.memory_space<hbm>>) target(%dma_start3A_66 : memref<80x128xf32, #tpu.memory_space<vmem>>) offsets(%dma_start3A_69 : memref<80xi32, #tpu.memory_space<vmem>>) semaphore(%arg11 : memref<!tpu.dma_semaphore, #tpu.memory_space<semaphore_mem>>)
    %scan3A = arith.constant 0 : i32
    %scan3A_73 = arith.constant 0 : i32
    %scan3A_74 = arith.constant 125 : i32
    %scan3A_75 = arith.addi %scan3A_73, %scan3A_74 : i32
    %scan3A_76 = arith.constant 1 : i32
    scf.for %scan3A_89 = %scan3A_73 to %scan3A_75 step %scan3A_76  : i32 {
      %div3A = arith.constant 25 : i32
      %div3A_90 = arith.divsi %scan3A_89, %div3A : i32
      %rem3A = arith.constant 25 : i32
      %rem3A_91 = arith.remsi %scan3A_89, %rem3A : i32
      %rem3A_92 = arith.constant 2 : i32
      %rem3A_93 = arith.remsi %div3A_90, %rem3A_92 : i32
      %eq3A_94 = arith.constant 0 : i32
      %eq3A_95 = arith.cmpi eq, %rem3A_91, %eq3A_94 : i32
      %ge3A = arith.constant 1 : i32
      %ge3A_96 = arith.cmpi sge, %div3A_90, %ge3A : i32
      %and3A = arith.andi %eq3A_95, %ge3A_96 : i1
      %lt3A_97 = arith.constant 4 : i32
      %lt3A_98 = arith.cmpi slt, %div3A_90, %lt3A_97 : i32
      %and3A_99 = arith.andi %and3A, %lt3A_98 : i1
      %convert_element_type3A_100 = arith.extui %and3A_99 : i1 to i32
      %cond3A_101 = arith.constant 0 : i32
      %cond3A_102 = arith.cmpi ne, %convert_element_type3A_100, %cond3A_101 : i32
      scf.if %cond3A_102 {
        %add3A_129 = arith.constant 1 : i32
        %add3A_130 = arith.addi %div3A_90, %add3A_129 : i32
        %sub3A = arith.constant 1 : i32
        %sub3A_131 = arith.subi %sub3A, %rem3A_93 : i32
        %dma_start3A_132 = arith.constant 0 : i32
        %dma_start3A_133 = arith.constant 0 : i32
        %dma_start3A_134 = tpu.memref_slice %arg7[%sub3A_131, %dma_start3A_132, %dma_start3A_133] : memref<2x25x80xi32, #tpu.memory_space<vmem>> -> memref<1x25x80xi32, #tpu.memory_space<vmem>>
        %dma_start3A_135 = tpu.memref_squeeze %dma_start3A_134 : memref<1x25x80xi32, #tpu.memory_space<vmem>> -> memref<25x80xi32, #tpu.memory_space<vmem>>
        %dma_start3A_136 = arith.constant 0 : i32
        %dma_start3A_137 = arith.constant 0 : i32
        %dma_start3A_138 = tpu.memref_slice %arg3[%add3A, %add3A_130, %dma_start3A_136, %dma_start3A_137] : memref<32x5x25x80xi32, #tpu.memory_space<hbm>> -> memref<1x1x25x80xi32, #tpu.memory_space<hbm>>
        %dma_start3A_139 = tpu.memref_squeeze %dma_start3A_138 : memref<1x1x25x80xi32, #tpu.memory_space<hbm>> -> memref<25x80xi32, #tpu.memory_space<hbm>>
        %dma_start3A_140 = arith.constant 0 : i32
        %dma_start3A_141 = arith.constant 0 : i32
        %dma_start3A_142 = tpu.memref_slice %arg7[%sub3A_131, %dma_start3A_140, %dma_start3A_141] : memref<2x25x80xi32, #tpu.memory_space<vmem>> -> memref<1x25x80xi32, #tpu.memory_space<vmem>>
        %dma_start3A_143 = tpu.memref_squeeze %dma_start3A_142 : memref<1x25x80xi32, #tpu.memory_space<vmem>> -> memref<25x80xi32, #tpu.memory_space<vmem>>
        %dma_start3A_144 = arith.constant 0 : i32
        %dma_start3A_145 = arith.constant 0 : i32
        %dma_start3A_146 = tpu.memref_slice %arg3[%add3A, %add3A_130, %dma_start3A_144, %dma_start3A_145] : memref<32x5x25x80xi32, #tpu.memory_space<hbm>> -> memref<1x1x25x80xi32, #tpu.memory_space<hbm>>
        %dma_start3A_147 = tpu.memref_squeeze %dma_start3A_146 : memref<1x1x25x80xi32, #tpu.memory_space<hbm>> -> memref<25x80xi32, #tpu.memory_space<hbm>>
        tpu.enqueue_dma source(%dma_start3A_147 : memref<25x80xi32, #tpu.memory_space<hbm>>) target(%dma_start3A_143 : memref<25x80xi32, #tpu.memory_space<vmem>>) target_semaphore(%arg12 : memref<!tpu.dma_semaphore, #tpu.memory_space<semaphore_mem>>)
        %add3A_148 = arith.constant 1 : i32
        %add3A_149 = arith.addi %div3A_90, %add3A_148 : i32
        %sub3A_150 = arith.constant 1 : i32
        %sub3A_151 = arith.subi %sub3A_150, %rem3A_93 : i32
        %dma_start3A_152 = arith.constant 0 : i32
        %dma_start3A_153 = arith.constant 0 : i32
        %dma_start3A_154 = tpu.memref_slice %arg8[%sub3A_151, %dma_start3A_152, %dma_start3A_153] : memref<2x25x80xi32, #tpu.memory_space<vmem>> -> memref<1x25x80xi32, #tpu.memory_space<vmem>>
        %dma_start3A_155 = tpu.memref_squeeze %dma_start3A_154 : memref<1x25x80xi32, #tpu.memory_space<vmem>> -> memref<25x80xi32, #tpu.memory_space<vmem>>
        %dma_start3A_156 = arith.constant 0 : i32
        %dma_start3A_157 = arith.constant 0 : i32
        %dma_start3A_158 = tpu.memref_slice %arg4[%add3A, %add3A_149, %dma_start3A_156, %dma_start3A_157] : memref<32x5x25x80xi32, #tpu.memory_space<hbm>> -> memref<1x1x25x80xi32, #tpu.memory_space<hbm>>
        %dma_start3A_159 = tpu.memref_squeeze %dma_start3A_158 : memref<1x1x25x80xi32, #tpu.memory_space<hbm>> -> memref<25x80xi32, #tpu.memory_space<hbm>>
        %dma_start3A_160 = arith.constant 0 : i32
        %dma_start3A_161 = arith.constant 0 : i32
        %dma_start3A_162 = tpu.memref_slice %arg8[%sub3A_151, %dma_start3A_160, %dma_start3A_161] : memref<2x25x80xi32, #tpu.memory_space<vmem>> -> memref<1x25x80xi32, #tpu.memory_space<vmem>>
        %dma_start3A_163 = tpu.memref_squeeze %dma_start3A_162 : memref<1x25x80xi32, #tpu.memory_space<vmem>> -> memref<25x80xi32, #tpu.memory_space<vmem>>
        %dma_start3A_164 = arith.constant 0 : i32
        %dma_start3A_165 = arith.constant 0 : i32
        %dma_start3A_166 = tpu.memref_slice %arg4[%add3A, %add3A_149, %dma_start3A_164, %dma_start3A_165] : memref<32x5x25x80xi32, #tpu.memory_space<hbm>> -> memref<1x1x25x80xi32, #tpu.memory_space<hbm>>
        %dma_start3A_167 = tpu.memref_squeeze %dma_start3A_166 : memref<1x1x25x80xi32, #tpu.memory_space<hbm>> -> memref<25x80xi32, #tpu.memory_space<hbm>>
        tpu.enqueue_dma source(%dma_start3A_167 : memref<25x80xi32, #tpu.memory_space<hbm>>) target(%dma_start3A_163 : memref<25x80xi32, #tpu.memory_space<vmem>>) target_semaphore(%arg12 : memref<!tpu.dma_semaphore, #tpu.memory_space<semaphore_mem>>)
      } else {
      }
      %eq3A_103 = arith.constant 23 : i32
      %eq3A_104 = arith.cmpi eq, %rem3A_91, %eq3A_103 : i32
      %lt3A_105 = arith.constant 4 : i32
      %lt3A_106 = arith.cmpi slt, %div3A_90, %lt3A_105 : i32
      %and3A_107 = arith.andi %eq3A_104, %lt3A_106 : i1
      %convert_element_type3A_108 = arith.extui %and3A_107 : i1 to i32
      %cond3A_109 = arith.constant 0 : i32
      %cond3A_110 = arith.cmpi ne, %convert_element_type3A_108, %cond3A_109 : i32
      scf.if %cond3A_110 {
        %add3A_129 = arith.constant 1 : i32
        %add3A_130 = arith.addi %div3A_90, %add3A_129 : i32
        %sub3A = arith.constant 1 : i32
        %sub3A_131 = arith.subi %sub3A, %rem3A_93 : i32
        %dma_wait3A_132 = arith.constant 0 : i32
        %dma_wait3A_133 = arith.constant 0 : i32
        %dma_wait3A_134 = tpu.memref_slice %arg7[%sub3A_131, %dma_wait3A_132, %dma_wait3A_133] : memref<2x25x80xi32, #tpu.memory_space<vmem>> -> memref<1x25x80xi32, #tpu.memory_space<vmem>>
        %dma_wait3A_135 = tpu.memref_squeeze %dma_wait3A_134 : memref<1x25x80xi32, #tpu.memory_space<vmem>> -> memref<25x80xi32, #tpu.memory_space<vmem>>
        %dma_wait3A_136 = arith.constant 0 : i32
        %dma_wait3A_137 = arith.constant 0 : i32
        %dma_wait3A_138 = tpu.memref_slice %arg3[%add3A, %add3A_130, %dma_wait3A_136, %dma_wait3A_137] : memref<32x5x25x80xi32, #tpu.memory_space<hbm>> -> memref<1x1x25x80xi32, #tpu.memory_space<hbm>>
        %dma_wait3A_139 = tpu.memref_squeeze %dma_wait3A_138 : memref<1x1x25x80xi32, #tpu.memory_space<hbm>> -> memref<25x80xi32, #tpu.memory_space<hbm>>
        %dma_wait3A_140 = arith.constant 0 : i32
        %dma_wait3A_141 = arith.constant 0 : i32
        %dma_wait3A_142 = tpu.memref_slice %arg7[%sub3A_131, %dma_wait3A_140, %dma_wait3A_141] : memref<2x25x80xi32, #tpu.memory_space<vmem>> -> memref<1x25x80xi32, #tpu.memory_space<vmem>>
        %dma_wait3A_143 = tpu.memref_squeeze %dma_wait3A_142 : memref<1x25x80xi32, #tpu.memory_space<vmem>> -> memref<25x80xi32, #tpu.memory_space<vmem>>
        %dma_wait3A_144 = arith.constant 0 : i32
        %dma_wait3A_145 = arith.constant 0 : i32
        %dma_wait3A_146 = tpu.memref_slice %arg3[%add3A, %add3A_130, %dma_wait3A_144, %dma_wait3A_145] : memref<32x5x25x80xi32, #tpu.memory_space<hbm>> -> memref<1x1x25x80xi32, #tpu.memory_space<hbm>>
        %dma_wait3A_147 = tpu.memref_squeeze %dma_wait3A_146 : memref<1x1x25x80xi32, #tpu.memory_space<hbm>> -> memref<25x80xi32, #tpu.memory_space<hbm>>
        tpu.wait_dma2 semaphore(%arg12 : memref<!tpu.dma_semaphore, #tpu.memory_space<semaphore_mem>>) src(%dma_wait3A_147 : memref<25x80xi32, #tpu.memory_space<hbm>>) dst(%dma_wait3A_143 : memref<25x80xi32, #tpu.memory_space<vmem>>)
        %add3A_148 = arith.constant 1 : i32
        %add3A_149 = arith.addi %div3A_90, %add3A_148 : i32
        %sub3A_150 = arith.constant 1 : i32
        %sub3A_151 = arith.subi %sub3A_150, %rem3A_93 : i32
        %dma_wait3A_152 = arith.constant 0 : i32
        %dma_wait3A_153 = arith.constant 0 : i32
        %dma_wait3A_154 = tpu.memref_slice %arg8[%sub3A_151, %dma_wait3A_152, %dma_wait3A_153] : memref<2x25x80xi32, #tpu.memory_space<vmem>> -> memref<1x25x80xi32, #tpu.memory_space<vmem>>
        %dma_wait3A_155 = tpu.memref_squeeze %dma_wait3A_154 : memref<1x25x80xi32, #tpu.memory_space<vmem>> -> memref<25x80xi32, #tpu.memory_space<vmem>>
        %dma_wait3A_156 = arith.constant 0 : i32
        %dma_wait3A_157 = arith.constant 0 : i32
        %dma_wait3A_158 = tpu.memref_slice %arg4[%add3A, %add3A_149, %dma_wait3A_156, %dma_wait3A_157] : memref<32x5x25x80xi32, #tpu.memory_space<hbm>> -> memref<1x1x25x80xi32, #tpu.memory_space<hbm>>
        %dma_wait3A_159 = tpu.memref_squeeze %dma_wait3A_158 : memref<1x1x25x80xi32, #tpu.memory_space<hbm>> -> memref<25x80xi32, #tpu.memory_space<hbm>>
        %dma_wait3A_160 = arith.constant 0 : i32
        %dma_wait3A_161 = arith.constant 0 : i32
        %dma_wait3A_162 = tpu.memref_slice %arg8[%sub3A_151, %dma_wait3A_160, %dma_wait3A_161] : memref<2x25x80xi32, #tpu.memory_space<vmem>> -> memref<1x25x80xi32, #tpu.memory_space<vmem>>
        %dma_wait3A_163 = tpu.memref_squeeze %dma_wait3A_162 : memref<1x25x80xi32, #tpu.memory_space<vmem>> -> memref<25x80xi32, #tpu.memory_space<vmem>>
        %dma_wait3A_164 = arith.constant 0 : i32
        %dma_wait3A_165 = arith.constant 0 : i32
        %dma_wait3A_166 = tpu.memref_slice %arg4[%add3A, %add3A_149, %dma_wait3A_164, %dma_wait3A_165] : memref<32x5x25x80xi32, #tpu.memory_space<hbm>> -> memref<1x1x25x80xi32, #tpu.memory_space<hbm>>
        %dma_wait3A_167 = tpu.memref_squeeze %dma_wait3A_166 : memref<1x1x25x80xi32, #tpu.memory_space<hbm>> -> memref<25x80xi32, #tpu.memory_space<hbm>>
        tpu.wait_dma2 semaphore(%arg12 : memref<!tpu.dma_semaphore, #tpu.memory_space<semaphore_mem>>) src(%dma_wait3A_167 : memref<25x80xi32, #tpu.memory_space<hbm>>) dst(%dma_wait3A_163 : memref<25x80xi32, #tpu.memory_space<vmem>>)
      } else {
      }
      %add3A_111 = arith.constant 2 : i32
      %add3A_112 = arith.addi %scan3A_89, %add3A_111 : i32
      %lt3A_113 = arith.constant 125 : i32
      %lt3A_114 = arith.cmpi slt, %add3A_112, %lt3A_113 : i32
      %convert_element_type3A_115 = arith.extui %lt3A_114 : i1 to i32
      %cond3A_116 = arith.constant 0 : i32
      %cond3A_117 = arith.cmpi ne, %convert_element_type3A_115, %cond3A_116 : i32
      scf.if %cond3A_117 {
        %add3A_129 = arith.constant 2 : i32
        %add3A_130 = arith.addi %scan3A_89, %add3A_129 : i32
        %div3A_131 = arith.constant 25 : i32
        %div3A_132 = arith.divsi %add3A_130, %div3A_131 : i32
        %rem3A_133 = arith.constant 2 : i32
        %rem3A_134 = arith.remsi %div3A_132, %rem3A_133 : i32
        %rem3A_135 = arith.constant 25 : i32
        %rem3A_136 = arith.remsi %add3A_130, %rem3A_135 : i32
        %rem3A_137 = arith.constant 3 : i32
        %rem3A_138 = arith.remsi %add3A_130, %rem3A_137 : i32
        %dma_start3A_139 = arith.constant 0 : i32
        %dma_start3A_140 = arith.constant 0 : i32
        %dma_start3A_141 = tpu.memref_slice %arg9[%rem3A_138, %dma_start3A_139, %dma_start3A_140] : memref<3x80x128xf32, #tpu.memory_space<vmem>> -> memref<1x80x128xf32, #tpu.memory_space<vmem>>
        %dma_start3A_142 = tpu.memref_squeeze %dma_start3A_141 : memref<1x80x128xf32, #tpu.memory_space<vmem>> -> memref<80x128xf32, #tpu.memory_space<vmem>>
        %dma_start3A_143 = arith.constant 0 : i32
        %dma_start3A_144 = tpu.memref_slice %arg7[%rem3A_134, %rem3A_136, %dma_start3A_143] : memref<2x25x80xi32, #tpu.memory_space<vmem>> -> memref<1x1x80xi32, #tpu.memory_space<vmem>>
        %dma_start3A_145 = tpu.memref_squeeze %dma_start3A_144 : memref<1x1x80xi32, #tpu.memory_space<vmem>> -> memref<80xi32, #tpu.memory_space<vmem>>
        %dma_start3A_146 = arith.constant 0 : i32
        %dma_start3A_147 = arith.constant 0 : i32
        %dma_start3A_148 = tpu.memref_slice %arg2[%dma_start3A_146, %dma_start3A_147] : memref<10000x128xf32, #tpu.memory_space<hbm>> -> memref<10000x128xf32, #tpu.memory_space<hbm>>
        tpu.enqueue_indirect_dma source(%dma_start3A_148 : memref<10000x128xf32, #tpu.memory_space<hbm>>) target(%dma_start3A_142 : memref<80x128xf32, #tpu.memory_space<vmem>>) offsets(%dma_start3A_145 : memref<80xi32, #tpu.memory_space<vmem>>) semaphore(%arg11 : memref<!tpu.dma_semaphore, #tpu.memory_space<semaphore_mem>>)
      } else {
      }
      %rem3A_118 = arith.constant 3 : i32
      %rem3A_119 = arith.remsi %scan3A_89, %rem3A_118 : i32
      %dma_wait3A = arith.constant 0 : i32
      %dma_wait3A_120 = arith.constant 0 : i32
      %dma_wait3A_121 = tpu.memref_slice %arg9[%rem3A_119, %dma_wait3A, %dma_wait3A_120] : memref<3x80x128xf32, #tpu.memory_space<vmem>> -> memref<1x80x128xf32, #tpu.memory_space<vmem>>
      %dma_wait3A_122 = tpu.memref_squeeze %dma_wait3A_121 : memref<1x80x128xf32, #tpu.memory_space<vmem>> -> memref<80x128xf32, #tpu.memory_space<vmem>>
      %dma_wait3A_123 = arith.constant 0 : i32
      %dma_wait3A_124 = tpu.memref_slice %arg7[%rem3A_93, %rem3A_91, %dma_wait3A_123] : memref<2x25x80xi32, #tpu.memory_space<vmem>> -> memref<1x1x80xi32, #tpu.memory_space<vmem>>
      %dma_wait3A_125 = tpu.memref_squeeze %dma_wait3A_124 : memref<1x1x80xi32, #tpu.memory_space<vmem>> -> memref<80xi32, #tpu.memory_space<vmem>>
      %dma_wait3A_126 = arith.constant 0 : i32
      %dma_wait3A_127 = arith.constant 0 : i32
      %dma_wait3A_128 = tpu.memref_slice %arg2[%dma_wait3A_126, %dma_wait3A_127] : memref<10000x128xf32, #tpu.memory_space<hbm>> -> memref<10000x128xf32, #tpu.memory_space<hbm>>
      tpu.wait_indirect_dma semaphore(%arg11 : memref<!tpu.dma_semaphore, #tpu.memory_space<semaphore_mem>>) src(%dma_wait3A_128 : memref<10000x128xf32, #tpu.memory_space<hbm>>) dst(%dma_wait3A_122 : memref<80x128xf32, #tpu.memory_space<vmem>>)
      "tpu.region"() ({
        %run_scoped3A_129 = tpu.sem_alloc : memref<!tpu.dma_semaphore, #tpu.memory_space<semaphore_mem>>
        %dma_start3A_130 = arith.constant 0 : i32
        %dma_start3A_131 = arith.constant 0 : i32
        %dma_start3A_132 = tpu.memref_slice %arg9[%rem3A_119, %dma_start3A_130, %dma_start3A_131] : memref<3x80x128xf32, #tpu.memory_space<vmem>> -> memref<1x80x128xf32, #tpu.memory_space<vmem>>
        %dma_start3A_133 = tpu.memref_squeeze %dma_start3A_132 : memref<1x80x128xf32, #tpu.memory_space<vmem>> -> memref<80x128xf32, #tpu.memory_space<vmem>>
        %dma_start3A_134 = arith.constant 0 : i32
        %dma_start3A_135 = tpu.memref_slice %arg8[%rem3A_93, %rem3A_91, %dma_start3A_134] : memref<2x25x80xi32, #tpu.memory_space<vmem>> -> memref<1x1x80xi32, #tpu.memory_space<vmem>>
        %dma_start3A_136 = tpu.memref_squeeze %dma_start3A_135 : memref<1x1x80xi32, #tpu.memory_space<vmem>> -> memref<80xi32, #tpu.memory_space<vmem>>
        %dma_start3A_137 = arith.constant 0 : i32
        %dma_start3A_138 = arith.constant 0 : i32
        %dma_start3A_139 = tpu.memref_slice %arg10[%dma_start3A_137, %dma_start3A_138] : memref<10000x128xf32, #tpu.memory_space<vmem_shared>> -> memref<10000x128xf32, #tpu.memory_space<vmem_shared>>
        tpu.enqueue_indirect_dma source(%dma_start3A_133 : memref<80x128xf32, #tpu.memory_space<vmem>>) target(%dma_start3A_139 : memref<10000x128xf32, #tpu.memory_space<vmem_shared>>) offsets(%dma_start3A_136 : memref<80xi32, #tpu.memory_space<vmem>>) semaphore(%run_scoped3A_129 : memref<!tpu.dma_semaphore, #tpu.memory_space<semaphore_mem>>) {add = true}
        %dma_wait3A_140 = arith.constant 0 : i32
        %dma_wait3A_141 = arith.constant 0 : i32
        %dma_wait3A_142 = tpu.memref_slice %arg9[%rem3A_119, %dma_wait3A_140, %dma_wait3A_141] : memref<3x80x128xf32, #tpu.memory_space<vmem>> -> memref<1x80x128xf32, #tpu.memory_space<vmem>>
        %dma_wait3A_143 = tpu.memref_squeeze %dma_wait3A_142 : memref<1x80x128xf32, #tpu.memory_space<vmem>> -> memref<80x128xf32, #tpu.memory_space<vmem>>
        %dma_wait3A_144 = arith.constant 0 : i32
        %dma_wait3A_145 = tpu.memref_slice %arg8[%rem3A_93, %rem3A_91, %dma_wait3A_144] : memref<2x25x80xi32, #tpu.memory_space<vmem>> -> memref<1x1x80xi32, #tpu.memory_space<vmem>>
        %dma_wait3A_146 = tpu.memref_squeeze %dma_wait3A_145 : memref<1x1x80xi32, #tpu.memory_space<vmem>> -> memref<80xi32, #tpu.memory_space<vmem>>
        %dma_wait3A_147 = arith.constant 0 : i32
        %dma_wait3A_148 = arith.constant 0 : i32
        %dma_wait3A_149 = tpu.memref_slice %arg10[%dma_wait3A_147, %dma_wait3A_148] : memref<10000x128xf32, #tpu.memory_space<vmem_shared>> -> memref<10000x128xf32, #tpu.memory_space<vmem_shared>>
        tpu.wait_indirect_dma semaphore(%run_scoped3A_129 : memref<!tpu.dma_semaphore, #tpu.memory_space<semaphore_mem>>) src(%dma_wait3A_143 : memref<80x128xf32, #tpu.memory_space<vmem>>) dst(%dma_wait3A_149 : memref<10000x128xf32, #tpu.memory_space<vmem_shared>>)
        tpu.yield
      }) : () -> ()
    }
    %scan3A_77 = arith.constant 125 : i32
    %barrier3A_78 = arith.constant 0 : index
    tpu.barrier barrier_id(%barrier3A_78)
    %lt3A_79 = arith.constant 15 : i32
    %lt3A_80 = arith.cmpi slt, %arg1, %lt3A_79 : i32
    %convert_element_type3A_81 = arith.extui %lt3A_80 : i1 to i32
    %cond3A_82 = arith.constant 0 : i32
    %cond3A_83 = arith.cmpi ne, %convert_element_type3A_81, %cond3A_82 : i32
    scf.if %cond3A_83 {
      "tpu.region"() ({
        %run_scoped3A_89 = tpu.sem_alloc : memref<!tpu.dma_semaphore, #tpu.memory_space<semaphore_mem>>
        %dma_start3A_90 = arith.constant 0 : i32
        %dma_start3A_91 = tpu.memref_slice %arg6[%arg0, %multiple_of3A, %dma_start3A_90] : memref<2x10000x128xf32, #tpu.memory_space<hbm>> -> memref<1x640x128xf32, #tpu.memory_space<hbm>>
        %dma_start3A_92 = tpu.memref_squeeze %dma_start3A_91 : memref<1x640x128xf32, #tpu.memory_space<hbm>> -> memref<640x128xf32, #tpu.memory_space<hbm>>
        %dma_start3A_93 = arith.constant 0 : i32
        %dma_start3A_94 = tpu.memref_slice %arg10[%multiple_of3A, %dma_start3A_93] : memref<10000x128xf32, #tpu.memory_space<vmem_shared>> -> memref<640x128xf32, #tpu.memory_space<vmem_shared>>
        tpu.enqueue_dma source(%dma_start3A_94 : memref<640x128xf32, #tpu.memory_space<vmem_shared>>) target(%dma_start3A_92 : memref<640x128xf32, #tpu.memory_space<hbm>>) target_semaphore(%run_scoped3A_89 : memref<!tpu.dma_semaphore, #tpu.memory_space<semaphore_mem>>)
        %dma_wait3A = arith.constant 0 : i32
        %dma_wait3A_95 = tpu.memref_slice %arg6[%arg0, %multiple_of3A, %dma_wait3A] : memref<2x10000x128xf32, #tpu.memory_space<hbm>> -> memref<1x640x128xf32, #tpu.memory_space<hbm>>
        %dma_wait3A_96 = tpu.memref_squeeze %dma_wait3A_95 : memref<1x640x128xf32, #tpu.memory_space<hbm>> -> memref<640x128xf32, #tpu.memory_space<hbm>>
        %dma_wait3A_97 = arith.constant 0 : i32
        %dma_wait3A_98 = tpu.memref_slice %arg10[%multiple_of3A, %dma_wait3A_97] : memref<10000x128xf32, #tpu.memory_space<vmem_shared>> -> memref<640x128xf32, #tpu.memory_space<vmem_shared>>
        tpu.wait_dma2 semaphore(%run_scoped3A_89 : memref<!tpu.dma_semaphore, #tpu.memory_space<semaphore_mem>>) src(%dma_wait3A_98 : memref<640x128xf32, #tpu.memory_space<vmem_shared>>) dst(%dma_wait3A_96 : memref<640x128xf32, #tpu.memory_space<hbm>>)
        tpu.yield
      }) : () -> ()
    } else {
    }
    %eq3A_84 = arith.constant 15 : i32
    %eq3A_85 = arith.cmpi eq, %arg1, %eq3A_84 : i32
    %convert_element_type3A_86 = arith.extui %eq3A_85 : i1 to i32
    %cond3A_87 = arith.constant 0 : i32
    %cond3A_88 = arith.cmpi ne, %convert_element_type3A_86, %cond3A_87 : i32
    scf.if %cond3A_88 {
      "tpu.region"() ({
        %run_scoped3A_89 = tpu.sem_alloc : memref<!tpu.dma_semaphore, #tpu.memory_space<semaphore_mem>>
        %dma_start3A_90 = arith.constant 0 : i32
        %dma_start3A_91 = tpu.memref_slice %arg6[%arg0, %multiple_of3A, %dma_start3A_90] : memref<2x10000x128xf32, #tpu.memory_space<hbm>> -> memref<1x400x128xf32, #tpu.memory_space<hbm>>
        %dma_start3A_92 = tpu.memref_squeeze %dma_start3A_91 : memref<1x400x128xf32, #tpu.memory_space<hbm>> -> memref<400x128xf32, #tpu.memory_space<hbm>>
        %dma_start3A_93 = arith.constant 0 : i32
        %dma_start3A_94 = tpu.memref_slice %arg10[%multiple_of3A, %dma_start3A_93] : memref<10000x128xf32, #tpu.memory_space<vmem_shared>> -> memref<400x128xf32, #tpu.memory_space<vmem_shared>>
        tpu.enqueue_dma source(%dma_start3A_94 : memref<400x128xf32, #tpu.memory_space<vmem_shared>>) target(%dma_start3A_92 : memref<400x128xf32, #tpu.memory_space<hbm>>) target_semaphore(%run_scoped3A_89 : memref<!tpu.dma_semaphore, #tpu.memory_space<semaphore_mem>>)
        %dma_wait3A = arith.constant 0 : i32
        %dma_wait3A_95 = tpu.memref_slice %arg6[%arg0, %multiple_of3A, %dma_wait3A] : memref<2x10000x128xf32, #tpu.memory_space<hbm>> -> memref<1x400x128xf32, #tpu.memory_space<hbm>>
        %dma_wait3A_96 = tpu.memref_squeeze %dma_wait3A_95 : memref<1x400x128xf32, #tpu.memory_space<hbm>> -> memref<400x128xf32, #tpu.memory_space<hbm>>
        %dma_wait3A_97 = arith.constant 0 : i32
        %dma_wait3A_98 = tpu.memref_slice %arg10[%multiple_of3A, %dma_wait3A_97] : memref<10000x128xf32, #tpu.memory_space<vmem_shared>> -> memref<400x128xf32, #tpu.memory_space<vmem_shared>>
        tpu.wait_dma2 semaphore(%run_scoped3A_89 : memref<!tpu.dma_semaphore, #tpu.memory_space<semaphore_mem>>) src(%dma_wait3A_98 : memref<400x128xf32, #tpu.memory_space<vmem_shared>>) dst(%dma_wait3A_96 : memref<400x128xf32, #tpu.memory_space<hbm>>)
        tpu.yield
      }) : () -> ()
    } else {
    }
    return
  }
}

#map = affine_map<(d0, d1) -> (0, 0, 0)>
#map1 = affine_map<(d0, d1) -> (0, 0)>
module attributes {stable_mosaic.version = 14 : i64} {
  func.func @body(%arg0: i32, %arg1: i32, %arg2: memref<32x125x80xi32, #tpu.memory_space<hbm>>, %arg3: memref<640x128xf32, #tpu.memory_space<hbm>>, %arg4: memref<80x128xf32, #tpu.memory_space<hbm>>, %arg5: memref<2x10000x128xf32, #tpu.memory_space<hbm>>, %arg6: memref<125x80xi32, #tpu.memory_space<vmem>>, %arg7: memref<80x128xf32, #tpu.memory_space<vmem>>, %arg8: memref<10000x128xf32, #tpu.memory_space<vmem_shared>>, %arg9: memref<!tpu.dma_semaphore, #tpu.memory_space<semaphore_mem>>) attributes {dimension_semantics = [#tpu.dimension_semantics<core_parallel>, #tpu.dimension_semantics<subcore_parallel>], iteration_bounds = array<i64: 2, 16>, scalar_prefetch = 0 : i64, scratch_operands = 4 : i64, tpu.core_type = #tpu.core_type<sc_vector_subcore>, window_params = [{transform_indices = #map}, {transform_indices = #map1}, {transform_indices = #map1}, {transform_indices = #map}]} {
    %mul3A = arith.constant 2 : i32
    %mul3A_0 = arith.muli %arg1, %mul3A : i32
    %add3A = arith.addi %mul3A_0, %arg0 : i32
    %mul3A_1 = arith.constant 640 : i32
    %mul3A_2 = arith.muli %arg1, %mul3A_1 : i32
    %multiple_of3A = tpu.assume_multiple %mul3A_2, 8 : i32
    %lt3A = arith.constant 15 : i32
    %lt3A_3 = arith.cmpi slt, %arg1, %lt3A : i32
    %convert_element_type3A = arith.extui %lt3A_3 : i1 to i32
    %cond3A = arith.constant 0 : i32
    %cond3A_4 = arith.cmpi ne, %convert_element_type3A, %cond3A : i32
    scf.if %cond3A_4 {
      "tpu.region"() ({
        %run_scoped3A = tpu.sem_alloc : memref<!tpu.dma_semaphore, #tpu.memory_space<semaphore_mem>>
        %dma_start3A = arith.constant 0 : i32
        %dma_start3A_31 = tpu.memref_slice %arg8[%multiple_of3A, %dma_start3A] : memref<10000x128xf32, #tpu.memory_space<vmem_shared>> -> memref<640x128xf32, #tpu.memory_space<vmem_shared>>
        %dma_start3A_32 = arith.constant 0 : i32
        %dma_start3A_33 = arith.constant 0 : i32
        %dma_start3A_34 = tpu.memref_slice %arg3[%dma_start3A_32, %dma_start3A_33] : memref<640x128xf32, #tpu.memory_space<hbm>> -> memref<640x128xf32, #tpu.memory_space<hbm>>
        tpu.enqueue_dma source(%dma_start3A_34 : memref<640x128xf32, #tpu.memory_space<hbm>>) target(%dma_start3A_31 : memref<640x128xf32, #tpu.memory_space<vmem_shared>>) target_semaphore(%run_scoped3A : memref<!tpu.dma_semaphore, #tpu.memory_space<semaphore_mem>>)
        %dma_wait3A = arith.constant 0 : i32
        %dma_wait3A_35 = tpu.memref_slice %arg8[%multiple_of3A, %dma_wait3A] : memref<10000x128xf32, #tpu.memory_space<vmem_shared>> -> memref<640x128xf32, #tpu.memory_space<vmem_shared>>
        %dma_wait3A_36 = arith.constant 0 : i32
        %dma_wait3A_37 = arith.constant 0 : i32
        %dma_wait3A_38 = tpu.memref_slice %arg3[%dma_wait3A_36, %dma_wait3A_37] : memref<640x128xf32, #tpu.memory_space<hbm>> -> memref<640x128xf32, #tpu.memory_space<hbm>>
        tpu.wait_dma2 semaphore(%run_scoped3A : memref<!tpu.dma_semaphore, #tpu.memory_space<semaphore_mem>>) src(%dma_wait3A_38 : memref<640x128xf32, #tpu.memory_space<hbm>>) dst(%dma_wait3A_35 : memref<640x128xf32, #tpu.memory_space<vmem_shared>>)
        tpu.yield
      }) : () -> ()
    } else {
    }
    %eq3A = arith.constant 15 : i32
    %eq3A_5 = arith.cmpi eq, %arg1, %eq3A : i32
    %convert_element_type3A_6 = arith.extui %eq3A_5 : i1 to i32
    %cond3A_7 = arith.constant 0 : i32
    %cond3A_8 = arith.cmpi ne, %convert_element_type3A_6, %cond3A_7 : i32
    scf.if %cond3A_8 {
      "tpu.region"() ({
        %run_scoped3A = tpu.sem_alloc : memref<!tpu.dma_semaphore, #tpu.memory_space<semaphore_mem>>
        %dma_start3A = arith.constant 0 : i32
        %dma_start3A_31 = tpu.memref_slice %arg8[%multiple_of3A, %dma_start3A] : memref<10000x128xf32, #tpu.memory_space<vmem_shared>> -> memref<400x128xf32, #tpu.memory_space<vmem_shared>>
        %dma_start3A_32 = arith.constant 0 : i32
        %dma_start3A_33 = arith.constant 0 : i32
        %dma_start3A_34 = tpu.memref_slice %arg3[%dma_start3A_32, %dma_start3A_33] : memref<640x128xf32, #tpu.memory_space<hbm>> -> memref<400x128xf32, #tpu.memory_space<hbm>>
        tpu.enqueue_dma source(%dma_start3A_34 : memref<400x128xf32, #tpu.memory_space<hbm>>) target(%dma_start3A_31 : memref<400x128xf32, #tpu.memory_space<vmem_shared>>) target_semaphore(%run_scoped3A : memref<!tpu.dma_semaphore, #tpu.memory_space<semaphore_mem>>)
        %dma_wait3A = arith.constant 0 : i32
        %dma_wait3A_35 = tpu.memref_slice %arg8[%multiple_of3A, %dma_wait3A] : memref<10000x128xf32, #tpu.memory_space<vmem_shared>> -> memref<400x128xf32, #tpu.memory_space<vmem_shared>>
        %dma_wait3A_36 = arith.constant 0 : i32
        %dma_wait3A_37 = arith.constant 0 : i32
        %dma_wait3A_38 = tpu.memref_slice %arg3[%dma_wait3A_36, %dma_wait3A_37] : memref<640x128xf32, #tpu.memory_space<hbm>> -> memref<400x128xf32, #tpu.memory_space<hbm>>
        tpu.wait_dma2 semaphore(%run_scoped3A : memref<!tpu.dma_semaphore, #tpu.memory_space<semaphore_mem>>) src(%dma_wait3A_38 : memref<400x128xf32, #tpu.memory_space<hbm>>) dst(%dma_wait3A_35 : memref<400x128xf32, #tpu.memory_space<vmem_shared>>)
        tpu.yield
      }) : () -> ()
    } else {
    }
    "tpu.region"() ({
      %run_scoped3A = tpu.sem_alloc : memref<!tpu.dma_semaphore, #tpu.memory_space<semaphore_mem>>
      tpu.enqueue_dma source(%arg4 : memref<80x128xf32, #tpu.memory_space<hbm>>) target(%arg7 : memref<80x128xf32, #tpu.memory_space<vmem>>) target_semaphore(%run_scoped3A : memref<!tpu.dma_semaphore, #tpu.memory_space<semaphore_mem>>)
      tpu.wait_dma2 semaphore(%run_scoped3A : memref<!tpu.dma_semaphore, #tpu.memory_space<semaphore_mem>>) src(%arg4 : memref<80x128xf32, #tpu.memory_space<hbm>>) dst(%arg7 : memref<80x128xf32, #tpu.memory_space<vmem>>)
      tpu.yield
    }) : () -> ()
    "tpu.region"() ({
      %run_scoped3A = tpu.sem_alloc : memref<!tpu.dma_semaphore, #tpu.memory_space<semaphore_mem>>
      %dma_start3A = arith.constant 0 : i32
      %dma_start3A_31 = arith.constant 0 : i32
      %dma_start3A_32 = tpu.memref_slice %arg2[%add3A, %dma_start3A, %dma_start3A_31] : memref<32x125x80xi32, #tpu.memory_space<hbm>> -> memref<1x125x80xi32, #tpu.memory_space<hbm>>
      %dma_start3A_33 = tpu.memref_squeeze %dma_start3A_32 : memref<1x125x80xi32, #tpu.memory_space<hbm>> -> memref<125x80xi32, #tpu.memory_space<hbm>>
      %dma_start3A_34 = arith.constant 0 : i32
      %dma_start3A_35 = arith.constant 0 : i32
      %dma_start3A_36 = tpu.memref_slice %arg2[%add3A, %dma_start3A_34, %dma_start3A_35] : memref<32x125x80xi32, #tpu.memory_space<hbm>> -> memref<1x125x80xi32, #tpu.memory_space<hbm>>
      %dma_start3A_37 = tpu.memref_squeeze %dma_start3A_36 : memref<1x125x80xi32, #tpu.memory_space<hbm>> -> memref<125x80xi32, #tpu.memory_space<hbm>>
      tpu.enqueue_dma source(%dma_start3A_37 : memref<125x80xi32, #tpu.memory_space<hbm>>) target(%arg6 : memref<125x80xi32, #tpu.memory_space<vmem>>) target_semaphore(%run_scoped3A : memref<!tpu.dma_semaphore, #tpu.memory_space<semaphore_mem>>)
      %dma_wait3A = arith.constant 0 : i32
      %dma_wait3A_38 = arith.constant 0 : i32
      %dma_wait3A_39 = tpu.memref_slice %arg2[%add3A, %dma_wait3A, %dma_wait3A_38] : memref<32x125x80xi32, #tpu.memory_space<hbm>> -> memref<1x125x80xi32, #tpu.memory_space<hbm>>
      %dma_wait3A_40 = tpu.memref_squeeze %dma_wait3A_39 : memref<1x125x80xi32, #tpu.memory_space<hbm>> -> memref<125x80xi32, #tpu.memory_space<hbm>>
      %dma_wait3A_41 = arith.constant 0 : i32
      %dma_wait3A_42 = arith.constant 0 : i32
      %dma_wait3A_43 = tpu.memref_slice %arg2[%add3A, %dma_wait3A_41, %dma_wait3A_42] : memref<32x125x80xi32, #tpu.memory_space<hbm>> -> memref<1x125x80xi32, #tpu.memory_space<hbm>>
      %dma_wait3A_44 = tpu.memref_squeeze %dma_wait3A_43 : memref<1x125x80xi32, #tpu.memory_space<hbm>> -> memref<125x80xi32, #tpu.memory_space<hbm>>
      tpu.wait_dma2 semaphore(%run_scoped3A : memref<!tpu.dma_semaphore, #tpu.memory_space<semaphore_mem>>) src(%dma_wait3A_44 : memref<125x80xi32, #tpu.memory_space<hbm>>) dst(%arg6 : memref<125x80xi32, #tpu.memory_space<vmem>>)
      tpu.yield
    }) : () -> ()
    %barrier3A = arith.constant 0 : index
    tpu.barrier barrier_id(%barrier3A)
    %scan3A = arith.constant 0 : i32
    %scan3A_9 = arith.constant 0 : i32
    %scan3A_10 = arith.constant 125 : i32
    %scan3A_11 = arith.addi %scan3A_9, %scan3A_10 : i32
    %scan3A_12 = arith.constant 1 : i32
    scf.for %scan3A_31 = %scan3A_9 to %scan3A_11 step %scan3A_12  : i32 {
      %dma_start3A = arith.constant 0 : i32
      %dma_start3A_32 = tpu.memref_slice %arg6[%scan3A_31, %dma_start3A] : memref<125x80xi32, #tpu.memory_space<vmem>> -> memref<1x80xi32, #tpu.memory_space<vmem>>
      %dma_start3A_33 = tpu.memref_squeeze %dma_start3A_32 : memref<1x80xi32, #tpu.memory_space<vmem>> -> memref<80xi32, #tpu.memory_space<vmem>>
      %dma_start3A_34 = arith.constant 0 : i32
      %dma_start3A_35 = arith.constant 0 : i32
      %dma_start3A_36 = tpu.memref_slice %arg8[%dma_start3A_34, %dma_start3A_35] : memref<10000x128xf32, #tpu.memory_space<vmem_shared>> -> memref<10000x128xf32, #tpu.memory_space<vmem_shared>>
      tpu.enqueue_indirect_dma source(%arg7 : memref<80x128xf32, #tpu.memory_space<vmem>>) target(%dma_start3A_36 : memref<10000x128xf32, #tpu.memory_space<vmem_shared>>) offsets(%dma_start3A_33 : memref<80xi32, #tpu.memory_space<vmem>>) semaphore(%arg9 : memref<!tpu.dma_semaphore, #tpu.memory_space<semaphore_mem>>) {add = true}
      %ge3A = arith.constant 8 : i32
      %ge3A_37 = arith.cmpi sge, %scan3A_31, %ge3A : i32
      %convert_element_type3A_38 = arith.extui %ge3A_37 : i1 to i32
      %cond3A_39 = arith.constant 0 : i32
      %cond3A_40 = arith.cmpi ne, %convert_element_type3A_38, %cond3A_39 : i32
      scf.if %cond3A_40 {
        %dma_wait3A = arith.constant 0 : i32
        %dma_wait3A_41 = tpu.memref_slice %arg6[%scan3A_31, %dma_wait3A] : memref<125x80xi32, #tpu.memory_space<vmem>> -> memref<1x80xi32, #tpu.memory_space<vmem>>
        %dma_wait3A_42 = tpu.memref_squeeze %dma_wait3A_41 : memref<1x80xi32, #tpu.memory_space<vmem>> -> memref<80xi32, #tpu.memory_space<vmem>>
        %dma_wait3A_43 = arith.constant 0 : i32
        %dma_wait3A_44 = arith.constant 0 : i32
        %dma_wait3A_45 = tpu.memref_slice %arg8[%dma_wait3A_43, %dma_wait3A_44] : memref<10000x128xf32, #tpu.memory_space<vmem_shared>> -> memref<10000x128xf32, #tpu.memory_space<vmem_shared>>
        tpu.wait_indirect_dma semaphore(%arg9 : memref<!tpu.dma_semaphore, #tpu.memory_space<semaphore_mem>>) src(%arg7 : memref<80x128xf32, #tpu.memory_space<vmem>>) dst(%dma_wait3A_45 : memref<10000x128xf32, #tpu.memory_space<vmem_shared>>)
      } else {
      }
    }
    %scan3A_13 = arith.constant 125 : i32
    %scan3A_14 = arith.constant 0 : i32
    %scan3A_15 = arith.constant 0 : i32
    %scan3A_16 = arith.constant 8 : i32
    %scan3A_17 = arith.addi %scan3A_15, %scan3A_16 : i32
    %scan3A_18 = arith.constant 1 : i32
    scf.for %scan3A_31 = %scan3A_15 to %scan3A_17 step %scan3A_18  : i32 {
      %dma_wait3A = arith.constant 0 : i32
      %dma_wait3A_32 = arith.constant 0 : i32
      %dma_wait3A_33 = tpu.memref_slice %arg6[%dma_wait3A, %dma_wait3A_32] : memref<125x80xi32, #tpu.memory_space<vmem>> -> memref<1x80xi32, #tpu.memory_space<vmem>>
      %dma_wait3A_34 = tpu.memref_squeeze %dma_wait3A_33 : memref<1x80xi32, #tpu.memory_space<vmem>> -> memref<80xi32, #tpu.memory_space<vmem>>
      %dma_wait3A_35 = arith.constant 0 : i32
      %dma_wait3A_36 = arith.constant 0 : i32
      %dma_wait3A_37 = tpu.memref_slice %arg8[%dma_wait3A_35, %dma_wait3A_36] : memref<10000x128xf32, #tpu.memory_space<vmem_shared>> -> memref<10000x128xf32, #tpu.memory_space<vmem_shared>>
      tpu.wait_indirect_dma semaphore(%arg9 : memref<!tpu.dma_semaphore, #tpu.memory_space<semaphore_mem>>) src(%arg7 : memref<80x128xf32, #tpu.memory_space<vmem>>) dst(%dma_wait3A_37 : memref<10000x128xf32, #tpu.memory_space<vmem_shared>>)
    }
    %scan3A_19 = arith.constant 8 : i32
    %barrier3A_20 = arith.constant 0 : index
    tpu.barrier barrier_id(%barrier3A_20)
    %lt3A_21 = arith.constant 15 : i32
    %lt3A_22 = arith.cmpi slt, %arg1, %lt3A_21 : i32
    %convert_element_type3A_23 = arith.extui %lt3A_22 : i1 to i32
    %cond3A_24 = arith.constant 0 : i32
    %cond3A_25 = arith.cmpi ne, %convert_element_type3A_23, %cond3A_24 : i32
    scf.if %cond3A_25 {
      "tpu.region"() ({
        %run_scoped3A = tpu.sem_alloc : memref<!tpu.dma_semaphore, #tpu.memory_space<semaphore_mem>>
        %dma_start3A = arith.constant 0 : i32
        %dma_start3A_31 = tpu.memref_slice %arg5[%arg0, %multiple_of3A, %dma_start3A] : memref<2x10000x128xf32, #tpu.memory_space<hbm>> -> memref<1x640x128xf32, #tpu.memory_space<hbm>>
        %dma_start3A_32 = tpu.memref_squeeze %dma_start3A_31 : memref<1x640x128xf32, #tpu.memory_space<hbm>> -> memref<640x128xf32, #tpu.memory_space<hbm>>
        %dma_start3A_33 = arith.constant 0 : i32
        %dma_start3A_34 = tpu.memref_slice %arg8[%multiple_of3A, %dma_start3A_33] : memref<10000x128xf32, #tpu.memory_space<vmem_shared>> -> memref<640x128xf32, #tpu.memory_space<vmem_shared>>
        tpu.enqueue_dma source(%dma_start3A_34 : memref<640x128xf32, #tpu.memory_space<vmem_shared>>) target(%dma_start3A_32 : memref<640x128xf32, #tpu.memory_space<hbm>>) target_semaphore(%run_scoped3A : memref<!tpu.dma_semaphore, #tpu.memory_space<semaphore_mem>>)
        %dma_wait3A = arith.constant 0 : i32
        %dma_wait3A_35 = tpu.memref_slice %arg5[%arg0, %multiple_of3A, %dma_wait3A] : memref<2x10000x128xf32, #tpu.memory_space<hbm>> -> memref<1x640x128xf32, #tpu.memory_space<hbm>>
        %dma_wait3A_36 = tpu.memref_squeeze %dma_wait3A_35 : memref<1x640x128xf32, #tpu.memory_space<hbm>> -> memref<640x128xf32, #tpu.memory_space<hbm>>
        %dma_wait3A_37 = arith.constant 0 : i32
        %dma_wait3A_38 = tpu.memref_slice %arg8[%multiple_of3A, %dma_wait3A_37] : memref<10000x128xf32, #tpu.memory_space<vmem_shared>> -> memref<640x128xf32, #tpu.memory_space<vmem_shared>>
        tpu.wait_dma2 semaphore(%run_scoped3A : memref<!tpu.dma_semaphore, #tpu.memory_space<semaphore_mem>>) src(%dma_wait3A_38 : memref<640x128xf32, #tpu.memory_space<vmem_shared>>) dst(%dma_wait3A_36 : memref<640x128xf32, #tpu.memory_space<hbm>>)
        tpu.yield
      }) : () -> ()
    } else {
    }
    %eq3A_26 = arith.constant 15 : i32
    %eq3A_27 = arith.cmpi eq, %arg1, %eq3A_26 : i32
    %convert_element_type3A_28 = arith.extui %eq3A_27 : i1 to i32
    %cond3A_29 = arith.constant 0 : i32
    %cond3A_30 = arith.cmpi ne, %convert_element_type3A_28, %cond3A_29 : i32
    scf.if %cond3A_30 {
      "tpu.region"() ({
        %run_scoped3A = tpu.sem_alloc : memref<!tpu.dma_semaphore, #tpu.memory_space<semaphore_mem>>
        %dma_start3A = arith.constant 0 : i32
        %dma_start3A_31 = tpu.memref_slice %arg5[%arg0, %multiple_of3A, %dma_start3A] : memref<2x10000x128xf32, #tpu.memory_space<hbm>> -> memref<1x400x128xf32, #tpu.memory_space<hbm>>
        %dma_start3A_32 = tpu.memref_squeeze %dma_start3A_31 : memref<1x400x128xf32, #tpu.memory_space<hbm>> -> memref<400x128xf32, #tpu.memory_space<hbm>>
        %dma_start3A_33 = arith.constant 0 : i32
        %dma_start3A_34 = tpu.memref_slice %arg8[%multiple_of3A, %dma_start3A_33] : memref<10000x128xf32, #tpu.memory_space<vmem_shared>> -> memref<400x128xf32, #tpu.memory_space<vmem_shared>>
        tpu.enqueue_dma source(%dma_start3A_34 : memref<400x128xf32, #tpu.memory_space<vmem_shared>>) target(%dma_start3A_32 : memref<400x128xf32, #tpu.memory_space<hbm>>) target_semaphore(%run_scoped3A : memref<!tpu.dma_semaphore, #tpu.memory_space<semaphore_mem>>)
        %dma_wait3A = arith.constant 0 : i32
        %dma_wait3A_35 = tpu.memref_slice %arg5[%arg0, %multiple_of3A, %dma_wait3A] : memref<2x10000x128xf32, #tpu.memory_space<hbm>> -> memref<1x400x128xf32, #tpu.memory_space<hbm>>
        %dma_wait3A_36 = tpu.memref_squeeze %dma_wait3A_35 : memref<1x400x128xf32, #tpu.memory_space<hbm>> -> memref<400x128xf32, #tpu.memory_space<hbm>>
        %dma_wait3A_37 = arith.constant 0 : i32
        %dma_wait3A_38 = tpu.memref_slice %arg8[%multiple_of3A, %dma_wait3A_37] : memref<10000x128xf32, #tpu.memory_space<vmem_shared>> -> memref<400x128xf32, #tpu.memory_space<vmem_shared>>
        tpu.wait_dma2 semaphore(%run_scoped3A : memref<!tpu.dma_semaphore, #tpu.memory_space<semaphore_mem>>) src(%dma_wait3A_38 : memref<400x128xf32, #tpu.memory_space<vmem_shared>>) dst(%dma_wait3A_36 : memref<400x128xf32, #tpu.memory_space<hbm>>)
        tpu.yield
      }) : () -> ()
    } else {
    }
    return
  }
}

module attributes {stable_mosaic.version = 14 : i64} {
  func.func @_mm_body(%arg0: i32, %arg1: memref<1280x128xf32, #tpu.memory_space<vmem>>, %arg2: memref<128x128xf32, #tpu.memory_space<vmem>>, %arg3: memref<1280x128xf32, #tpu.memory_space<vmem>>) attributes {dimension_semantics = [#tpu.dimension_semantics<arbitrary>], iteration_bounds = array<i64: 8>, scalar_prefetch = 0 : i64, scratch_operands = 0 : i64, tpu.core_type = #tpu.core_type<tc>, window_params = [{transform_indices = @transform_0, window_bounds = array<i64: 1280, 128>}, {pipeline_mode = #tpu.pipeline_mode<synchronous>, transform_indices = @transform_1, window_bounds = array<i64: 128, 128>}, {transform_indices = @transform_2, window_bounds = array<i64: 1280, 128>}]} {
    %get3A = arith.constant 0 : index
    %get3A_0 = arith.constant 0 : index
    %get3A_1 = vector.load %arg1[%get3A, %get3A_0] : memref<1280x128xf32, #tpu.memory_space<vmem>>, vector<1280x128xf32>
    %get3A_2 = arith.constant 0 : index
    %get3A_3 = arith.constant 0 : index
    %get3A_4 = vector.load %arg2[%get3A_2, %get3A_3] : memref<128x128xf32, #tpu.memory_space<vmem>>, vector<128x128xf32>
    %dot_general3A = arith.constant dense<0.000000e+00> : vector<1280x128xf32>
    %dot_general3A_5 = tpu.matmul %get3A_1, %get3A_4, %dot_general3A {dimension_numbers = #tpu.dot_dimension_numbers<[1], [0], [0], [1], [0, 0, 1, 1], [], []>, precision = #tpu.contract_precision<fp32>, transpose_lhs_hint = false} : vector<1280x128xf32>, vector<128x128xf32>, vector<1280x128xf32> -> vector<1280x128xf32>
    %swap3A = arith.constant 0 : index
    %swap3A_6 = arith.constant 0 : index
    %swap3A_7 = vector.load %arg3[%swap3A, %swap3A_6] : memref<1280x128xf32, #tpu.memory_space<vmem>>, vector<1280x128xf32>
    tpu.vector_store %arg3[%swap3A, %swap3A_6], %dot_general3A_5 {strides = array<i32>} : memref<1280x128xf32, #tpu.memory_space<vmem>>, vector<1280x128xf32>,
    return
  }
  func.func @transform_0(%arg0: i32) -> (i32, i32) {
    %c0_i32 = arith.constant 0 : i32
    %c0_i32_0 = arith.constant 0 : i32
    return %arg0, %c0_i32 : i32, i32
  }
  func.func @transform_1(%arg0: i32) -> (i32, i32) {
    %c0_i32 = arith.constant 0 : i32
    %c0_i32_0 = arith.constant 0 : i32
    %c0_i32_1 = arith.constant 0 : i32
    return %c0_i32, %c0_i32_0 : i32, i32
  }
  func.func @transform_2(%arg0: i32) -> (i32, i32) {
    %c0_i32 = arith.constant 0 : i32
    %c0_i32_0 = arith.constant 0 : i32
    return %arg0, %c0_i32 : i32, i32
  }
}

module attributes {stable_mosaic.version = 14 : i64} {
  func.func @_ep1_body(%arg0: i32, %arg1: memref<2x1280x128xf32, #tpu.memory_space<vmem>>, %arg2: memref<2x1280x1xf32, #tpu.memory_space<vmem>>, %arg3: memref<1280x128xf32, #tpu.memory_space<vmem>>, %arg4: memref<1x128xf32, #tpu.memory_space<vmem>>, %arg5: memref<128x128xf32, #tpu.memory_space<vmem>>, %arg6: memref<1280x128xf32, #tpu.memory_space<vmem>>) attributes {dimension_semantics = [#tpu.dimension_semantics<arbitrary>], iteration_bounds = array<i64: 8>, scalar_prefetch = 0 : i64, scratch_operands = 0 : i64, tpu.core_type = #tpu.core_type<tc>, window_params = [{transform_indices = @transform_0, window_bounds = array<i64: 2, 1280, 128>}, {transform_indices = @transform_1, window_bounds = array<i64: 2, 1280, 1>}, {transform_indices = @transform_2, window_bounds = array<i64: 1280, 128>}, {pipeline_mode = #tpu.pipeline_mode<synchronous>, transform_indices = @transform_3, window_bounds = array<i64: 1, 128>}, {pipeline_mode = #tpu.pipeline_mode<synchronous>, transform_indices = @transform_4, window_bounds = array<i64: 128, 128>}, {transform_indices = @transform_5, window_bounds = array<i64: 1280, 128>}]} {
    %get3A = arith.constant 0 : index
    %get3A_0 = arith.constant 0 : index
    %get3A_1 = arith.constant 0 : index
    %get3A_2 = vector.load %arg1[%get3A, %get3A_0, %get3A_1] : memref<2x1280x128xf32, #tpu.memory_space<vmem>>, vector<1x1280x128xf32>
    %get3A_3 = vector.shape_cast %get3A_2 : vector<1x1280x128xf32> to vector<1280x128xf32>
    %get3A_4 = arith.constant 1 : index
    %get3A_5 = arith.constant 0 : index
    %get3A_6 = arith.constant 0 : index
    %get3A_7 = vector.load %arg1[%get3A_4, %get3A_5, %get3A_6] : memref<2x1280x128xf32, #tpu.memory_space<vmem>>, vector<1x1280x128xf32>
    %get3A_8 = vector.shape_cast %get3A_7 : vector<1x1280x128xf32> to vector<1280x128xf32>
    %add3A = arith.addf %get3A_3, %get3A_8 : vector<1280x128xf32>
    %get3A_9 = arith.constant 0 : index
    %get3A_10 = arith.constant 0 : index
    %get3A_11 = vector.load %arg3[%get3A_9, %get3A_10] : memref<1280x128xf32, #tpu.memory_space<vmem>>, vector<1280x128xf32>
    %add3A_12 = arith.addf %add3A, %get3A_11 : vector<1280x128xf32>
    %get3A_13 = arith.constant 0 : index
    %get3A_14 = arith.constant 0 : index
    %get3A_15 = arith.constant 0 : index
    %get3A_16 = vector.load %arg2[%get3A_13, %get3A_14, %get3A_15] : memref<2x1280x1xf32, #tpu.memory_space<vmem>>, vector<1x1280x1xf32>
    %get3A_17 = vector.shape_cast %get3A_16 : vector<1x1280x1xf32> to vector<1280x1xf32>
    %get3A_18 = arith.constant 1 : index
    %get3A_19 = arith.constant 0 : index
    %get3A_20 = arith.constant 0 : index
    %get3A_21 = vector.load %arg2[%get3A_18, %get3A_19, %get3A_20] : memref<2x1280x1xf32, #tpu.memory_space<vmem>>, vector<1x1280x1xf32>
    %get3A_22 = vector.shape_cast %get3A_21 : vector<1x1280x1xf32> to vector<1280x1xf32>
    %add3A_23 = arith.addf %get3A_17, %get3A_22 : vector<1280x1xf32>
    %add3A_24 = arith.constant 1.000000e+00 : f32
    %add3A_25 = vector.broadcast %add3A_24 : f32 to vector<1280x1xf32>
    %add3A_26 = arith.addf %add3A_23, %add3A_25 : vector<1280x1xf32>
    %div3A = vector.broadcast %add3A_26 : vector<1280x1xf32> to vector<1280x128xf32>
    %div3A_27 = arith.divf %add3A_12, %div3A : vector<1280x128xf32>
    %get3A_28 = arith.constant 0 : index
    %get3A_29 = arith.constant 0 : index
    %get3A_30 = vector.load %arg4[%get3A_28, %get3A_29] : memref<1x128xf32, #tpu.memory_space<vmem>>, vector<1x128xf32>
    %add3A_31 = vector.broadcast %get3A_30 : vector<1x128xf32> to vector<1280x128xf32>
    %add3A_32 = arith.addf %div3A_27, %add3A_31 : vector<1280x128xf32>
    %max3A = arith.constant 0.000000e+00 : f32
    %max3A_33 = vector.broadcast %max3A : f32 to vector<1280x128xf32>
    %max3A_34 = arith.maximumf %add3A_32, %max3A_33 : vector<1280x128xf32>
    %get3A_35 = arith.constant 0 : index
    %get3A_36 = arith.constant 0 : index
    %get3A_37 = vector.load %arg5[%get3A_35, %get3A_36] : memref<128x128xf32, #tpu.memory_space<vmem>>, vector<128x128xf32>
    %dot_general3A = arith.constant dense<0.000000e+00> : vector<1280x128xf32>
    %dot_general3A_38 = tpu.matmul %max3A_34, %get3A_37, %dot_general3A {dimension_numbers = #tpu.dot_dimension_numbers<[1], [0], [0], [1], [0, 0, 1, 1], [], []>, precision = #tpu.contract_precision<fp32>, transpose_lhs_hint = false} : vector<1280x128xf32>, vector<128x128xf32>, vector<1280x128xf32> -> vector<1280x128xf32>
    %swap3A = arith.constant 0 : index
    %swap3A_39 = arith.constant 0 : index
    %swap3A_40 = vector.load %arg6[%swap3A, %swap3A_39] : memref<1280x128xf32, #tpu.memory_space<vmem>>, vector<1280x128xf32>
    tpu.vector_store %arg6[%swap3A, %swap3A_39], %dot_general3A_38 {strides = array<i32>} : memref<1280x128xf32, #tpu.memory_space<vmem>>, vector<1280x128xf32>,
    return
  }
  func.func @transform_0(%arg0: i32) -> (i32, i32, i32) {
    %c0_i32 = arith.constant 0 : i32
    %c0_i32_0 = arith.constant 0 : i32
    %c0_i32_1 = arith.constant 0 : i32
    return %c0_i32, %arg0, %c0_i32_0 : i32, i32, i32
  }
  func.func @transform_1(%arg0: i32) -> (i32, i32, i32) {
    %c0_i32 = arith.constant 0 : i32
    %c0_i32_0 = arith.constant 0 : i32
    %c0_i32_1 = arith.constant 0 : i32
    return %c0_i32, %arg0, %c0_i32_0 : i32, i32, i32
  }
  func.func @transform_2(%arg0: i32) -> (i32, i32) {
    %c0_i32 = arith.constant 0 : i32
    %c0_i32_0 = arith.constant 0 : i32
    return %arg0, %c0_i32 : i32, i32
  }
  func.func @transform_3(%arg0: i32) -> (i32, i32) {
    %c0_i32 = arith.constant 0 : i32
    %c0_i32_0 = arith.constant 0 : i32
    %c0_i32_1 = arith.constant 0 : i32
    return %c0_i32, %c0_i32_0 : i32, i32
  }
  func.func @transform_4(%arg0: i32) -> (i32, i32) {
    %c0_i32 = arith.constant 0 : i32
    %c0_i32_0 = arith.constant 0 : i32
    %c0_i32_1 = arith.constant 0 : i32
    return %c0_i32, %c0_i32_0 : i32, i32
  }
  func.func @transform_5(%arg0: i32) -> (i32, i32) {
    %c0_i32 = arith.constant 0 : i32
    %c0_i32_0 = arith.constant 0 : i32
    return %arg0, %c0_i32 : i32, i32
  }
}

module attributes {stable_mosaic.version = 14 : i64} {
  func.func @_ep2_body(%arg0: i32, %arg1: memref<2x1280x128xf32, #tpu.memory_space<vmem>>, %arg2: memref<2x1280x1xf32, #tpu.memory_space<vmem>>, %arg3: memref<1280x128xf32, #tpu.memory_space<vmem>>, %arg4: memref<1x128xf32, #tpu.memory_space<vmem>>, %arg5: memref<1280x128xf32, #tpu.memory_space<vmem>>) attributes {dimension_semantics = [#tpu.dimension_semantics<arbitrary>], iteration_bounds = array<i64: 8>, scalar_prefetch = 0 : i64, scratch_operands = 0 : i64, tpu.core_type = #tpu.core_type<tc>, window_params = [{transform_indices = @transform_0, window_bounds = array<i64: 2, 1280, 128>}, {transform_indices = @transform_1, window_bounds = array<i64: 2, 1280, 1>}, {transform_indices = @transform_2, window_bounds = array<i64: 1280, 128>}, {pipeline_mode = #tpu.pipeline_mode<synchronous>, transform_indices = @transform_3, window_bounds = array<i64: 1, 128>}, {transform_indices = @transform_4, window_bounds = array<i64: 1280, 128>}]} {
    %get3A = arith.constant 0 : index
    %get3A_0 = arith.constant 0 : index
    %get3A_1 = arith.constant 0 : index
    %get3A_2 = vector.load %arg1[%get3A, %get3A_0, %get3A_1] : memref<2x1280x128xf32, #tpu.memory_space<vmem>>, vector<1x1280x128xf32>
    %get3A_3 = vector.shape_cast %get3A_2 : vector<1x1280x128xf32> to vector<1280x128xf32>
    %get3A_4 = arith.constant 1 : index
    %get3A_5 = arith.constant 0 : index
    %get3A_6 = arith.constant 0 : index
    %get3A_7 = vector.load %arg1[%get3A_4, %get3A_5, %get3A_6] : memref<2x1280x128xf32, #tpu.memory_space<vmem>>, vector<1x1280x128xf32>
    %get3A_8 = vector.shape_cast %get3A_7 : vector<1x1280x128xf32> to vector<1280x128xf32>
    %add3A = arith.addf %get3A_3, %get3A_8 : vector<1280x128xf32>
    %get3A_9 = arith.constant 0 : index
    %get3A_10 = arith.constant 0 : index
    %get3A_11 = vector.load %arg3[%get3A_9, %get3A_10] : memref<1280x128xf32, #tpu.memory_space<vmem>>, vector<1280x128xf32>
    %add3A_12 = arith.addf %add3A, %get3A_11 : vector<1280x128xf32>
    %get3A_13 = arith.constant 0 : index
    %get3A_14 = arith.constant 0 : index
    %get3A_15 = arith.constant 0 : index
    %get3A_16 = vector.load %arg2[%get3A_13, %get3A_14, %get3A_15] : memref<2x1280x1xf32, #tpu.memory_space<vmem>>, vector<1x1280x1xf32>
    %get3A_17 = vector.shape_cast %get3A_16 : vector<1x1280x1xf32> to vector<1280x1xf32>
    %get3A_18 = arith.constant 1 : index
    %get3A_19 = arith.constant 0 : index
    %get3A_20 = arith.constant 0 : index
    %get3A_21 = vector.load %arg2[%get3A_18, %get3A_19, %get3A_20] : memref<2x1280x1xf32, #tpu.memory_space<vmem>>, vector<1x1280x1xf32>
    %get3A_22 = vector.shape_cast %get3A_21 : vector<1x1280x1xf32> to vector<1280x1xf32>
    %add3A_23 = arith.addf %get3A_17, %get3A_22 : vector<1280x1xf32>
    %add3A_24 = arith.constant 1.000000e+00 : f32
    %add3A_25 = vector.broadcast %add3A_24 : f32 to vector<1280x1xf32>
    %add3A_26 = arith.addf %add3A_23, %add3A_25 : vector<1280x1xf32>
    %div3A = vector.broadcast %add3A_26 : vector<1280x1xf32> to vector<1280x128xf32>
    %div3A_27 = arith.divf %add3A_12, %div3A : vector<1280x128xf32>
    %get3A_28 = arith.constant 0 : index
    %get3A_29 = arith.constant 0 : index
    %get3A_30 = vector.load %arg4[%get3A_28, %get3A_29] : memref<1x128xf32, #tpu.memory_space<vmem>>, vector<1x128xf32>
    %add3A_31 = vector.broadcast %get3A_30 : vector<1x128xf32> to vector<1280x128xf32>
    %add3A_32 = arith.addf %div3A_27, %add3A_31 : vector<1280x128xf32>
    %swap3A = arith.constant 0 : index
    %swap3A_33 = arith.constant 0 : index
    %swap3A_34 = vector.load %arg5[%swap3A, %swap3A_33] : memref<1280x128xf32, #tpu.memory_space<vmem>>, vector<1280x128xf32>
    tpu.vector_store %arg5[%swap3A, %swap3A_33], %add3A_32 {strides = array<i32>} : memref<1280x128xf32, #tpu.memory_space<vmem>>, vector<1280x128xf32>,
    return
  }
  func.func @transform_0(%arg0: i32) -> (i32, i32, i32) {
    %c0_i32 = arith.constant 0 : i32
    %c0_i32_0 = arith.constant 0 : i32
    %c0_i32_1 = arith.constant 0 : i32
    return %c0_i32, %arg0, %c0_i32_0 : i32, i32, i32
  }
  func.func @transform_1(%arg0: i32) -> (i32, i32, i32) {
    %c0_i32 = arith.constant 0 : i32
    %c0_i32_0 = arith.constant 0 : i32
    %c0_i32_1 = arith.constant 0 : i32
    return %c0_i32, %arg0, %c0_i32_0 : i32, i32, i32
  }
  func.func @transform_2(%arg0: i32) -> (i32, i32) {
    %c0_i32 = arith.constant 0 : i32
    %c0_i32_0 = arith.constant 0 : i32
    return %arg0, %c0_i32 : i32, i32
  }
  func.func @transform_3(%arg0: i32) -> (i32, i32) {
    %c0_i32 = arith.constant 0 : i32
    %c0_i32_0 = arith.constant 0 : i32
    %c0_i32_1 = arith.constant 0 : i32
    return %c0_i32, %c0_i32_0 : i32, i32
  }
  func.func @transform_4(%arg0: i32) -> (i32, i32) {
    %c0_i32 = arith.constant 0 : i32
    %c0_i32_0 = arith.constant 0 : i32
    return %arg0, %c0_i32 : i32, i32
  }
}

</mosaic_0001>

<sc_bundles>
// kernel: kernel.11.cloned.1.call-start
scs
__scs_entry_jumppad:
0x0: {  	(pc) =	sbr.rel $0x88, $3  }
0x1: {  	(tag) =	ssettag $0x0;
	lr =	simm.s32 $0x1  }
0x2: {  	[smem:$0x3F9B] =	sst lr;
	_ =	strace $0xD0000000  }
0x3: {  	_ = 	snop  }
0x4: {  	_ = 	snop  }
0x5: {  	_ = 	snop  }
0x6: {  	_ = 	snop  }
0x7: {  	_ = 	snop  }
__scs_overlays_trampoline_lowered:
0x8: {  	[smem:$0x3FAA] =	sst s0  }
0x9: {  	[smem:$0x3FAB] =	sst s1  }
0xa: {  	[smem:$0x3FAC] =	sst s2  }
0xb: {  	[smem:$0x3FAD] =	sst s3  }
0xc: {  	[smem:$0x3FAE] =	sst s4  }
0xd: {  	[smem:$0x3FAF] =	sst s5  }
0xe: {  	[smem:$0x3FB0] =	sst s6  }
0xf: {  	[smem:$0x3FB1] =	sst s7  }
0x10: {  	[smem:$0x3FB2] =	sst s8  }
0x11: {  	[smem:$0x3FB3] =	sst s9;
	s0 =	simm.s32 @!p0 $0x0  }
0x12: {  	s1 =	sld [smem:$0x3F99];
	s0 =	simm.s32 @p0 $0x1  }
0x13: {  	[smem:$0x3FB4] =	sst s0;
	s0 =	simm.s32 @!p1 $0x0  }
0x14: {  	s2 =	sld [smem:$0x3F98];
	s0 =	simm.s32 @p1 $0x1  }
0x15: {  	[smem:$0x3FB5] =	sst s0;
	s0 =	simm.s32 @!p2 $0x0  }
0x16: {  	s3 =	sld [smem:$0x3FDB];
	s0 =	simm.s32 @p2 $0x1  }
0x17: {  	s4 =	simm.s32 $0x1BF5;
	[smem:$0x3FB7] =	sst s0  }
0x18: {  	s0 =	sld [smem:$0x3F9A];
	_ =	swait.ge [sflag:s4], $0x0  }
0x19: {  	s7 =	sld [smem:$0x3F9B]  }
0x1a: {  	s8 =	sadd.s32 $0xFFFFE003, lr  }
0x1b: {  	s9 =	sadd.s32 $0xFFFFFEF7, lr;
	s5 =	simm.s32 $0xFFFFFFFF;
	p2 =	slt.u32 s8, $0xFFFFF086  }
0x1c: {  	p1 =	slt.u32 s9, $0xF7A;
	s5 =	simm.s32 @!p2 $0x0  }
0x1d: {  	s5 =	simm.s32 @p1 $0x1;
	p0 =	seq.s32 s7, s2  }
0x1e: {  	s7 =	smul.u32 @!p0 $0xF7A, s2;
	p2 =	seq.s32 @!p0 s5, $0x0  }
0x1f: {  	s9 =	smul.u32 $0xF7A, s1;
	s8 =	simm.s32 @!p0 $0x1BF5;
	p2 =	por !p2, p0  }
0x20: {  	[sflag:s8] =	ssyncset.s32 @!p0 $0xFFFFF086;
	s6 =	sadd.s32 @!p0 s3, s7;
	s7 =	simm.s32 @!p0 $0x108  }
0x21: {  	s3 =	sadd.s32 s3, s9;
	s6 =	sadd.s32 @!p0 $0x88, s6;
	s7 =	simm.s32 @p2 $0x1082  }
0x22: {  	[simem:s7], [sflag:s8] =	dma.local @!p0 [hbm:s6], $0xF7A  }
0x23: {  	s9 =	sor.u32 $0xD0000000, s2;
	s6 =	simm.s32 $0x108;
	_ =	swait.ge @!p0 [sflag:s8], $0x0  }
0x24: {  	s3 =	sadd.s32 $0x88, s3;
	s6 =	simm.s32 @!p1 $0x1082;
	[sflag:s4] =	ssyncset.s32 $0xFFFFF086  }
0x25: {  	[simem:s6], [sflag:s4] =	dma.local [hbm:s3], $0xF7A  }
0x26: {  	[smem:$0x3F9B] =	sst s1;
	(tag) =	ssettag s2;
	_ =	strace s9  }
0x27: {  	s1 =	sld [smem:$0x3FAB]  }
0x28: {  	s2 =	sld [smem:$0x3FAC]  }
0x29: {  	s4 =	sld [smem:$0x3FAE]  }
0x2a: {  	p0 =	seq.s32 s5, $0x0;
	s5 =	sld [smem:$0x3FAF]  }
0x2b: {  	s6 =	sld [smem:$0x3FB0]  }
0x2c: {  	s7 =	sld [smem:$0x3FB1]  }
0x2d: {  	s3 =	simm.s32 $0x108;
	s8 =	sld [smem:$0x3FB2]  }
0x2e: {  	s3 =	simm.s32 @!p0 $0x1082;
	s9 =	sld [smem:$0x3FB3]  }
0x2f: {  	lr =	sadd.s32 s0, s3;
	s0 =	sld [smem:$0x3FAA]  }
0x30: {  	s3 =	sld [smem:$0x3FAD]  }
0x31: {  	[smem:$0x3FB6] =	sst s10  }
0x32: {  	s10 =	sld [smem:$0x3FB4];
	_ =	sdelay $0x3  }
0x33: {  	p0 =	seq.s32 s10, $0x1;
	s10 =	sld [smem:$0x3FB6];
	_ =	sdelay $0x3  }
0x34: {  	[smem:$0x3FB6] =	sst s10  }
0x35: {  	s10 =	sld [smem:$0x3FB5];
	_ =	sdelay $0x3  }
0x36: {  	p1 =	seq.s32 s10, $0x1;
	s10 =	sld [smem:$0x3FB6];
	_ =	sdelay $0x3  }
0x37: {  	[smem:$0x3FB6] =	sst s10  }
0x38: {  	s10 =	sld [smem:$0x3FB7]  }
0x39: {  	_ = 	snop;
	(pc) =	sbr.ind lr, $3  }
0x3a: {  	_ = 	snop  }
0x3b: {  	_ = 	snop  }
0x3c: {  	p2 =	seq.s32 s10, $0x1;
	s10 =	sld [smem:$0x3FB6]  }
0x3d: {  	_ =	shalt  }
0x3e: {  	_ =	shalt  }
0x3f: {  	_ =	shalt  }
0x40: {  	_ =	shalt  }
0x41: {  	_ =	shalt  }
0x42: {  	_ =	shalt  }
0x43: {  	_ =	shalt  }
0x44: {  	_ =	shalt  }
0x45: {  	_ =	shalt  }
0x46: {  	_ =	shalt  }
0x47: {  	_ =	shalt  }
0x48: {  	_ =	shalt  }
0x49: {  	_ =	shalt  }
0x4a: {  	_ =	shalt  }
0x4b: {  	_ =	shalt  }
0x4c: {  	_ =	shalt  }
0x4d: {  	_ =	shalt  }
0x4e: {  	_ =	shalt  }
0x4f: {  	_ =	shalt  }
0x50: {  	_ =	shalt  }
0x51: {  	_ =	shalt  }
0x52: {  	_ =	shalt  }
0x53: {  	_ =	shalt  }
0x54: {  	_ =	shalt  }
0x55: {  	_ =	shalt  }
0x56: {  	_ =	shalt  }
0x57: {  	_ =	shalt  }
0x58: {  	_ =	shalt  }
0x59: {  	_ =	shalt  }
0x5a: {  	_ =	shalt  }
0x5b: {  	_ =	shalt  }
0x5c: {  	_ =	shalt  }
0x5d: {  	_ =	shalt  }
0x5e: {  	_ =	shalt  }
0x5f: {  	_ =	shalt  }
0x60: {  	_ =	shalt  }
0x61: {  	_ =	shalt  }
0x62: {  	_ =	shalt  }
0x63: {  	_ =	shalt  }
0x64: {  	_ =	shalt  }
0x65: {  	_ =	shalt  }
0x66: {  	_ =	shalt  }
0x67: {  	_ =	shalt  }
0x68: {  	_ =	shalt  }
0x69: {  	_ =	shalt  }
0x6a: {  	_ =	shalt  }
0x6b: {  	_ =	shalt  }
0x6c: {  	_ =	shalt  }
0x6d: {  	_ =	shalt  }
0x6e: {  	_ =	shalt  }
0x6f: {  	_ =	shalt  }
0x70: {  	_ =	shalt  }
0x71: {  	_ =	shalt  }
0x72: {  	_ =	shalt  }
0x73: {  	_ =	shalt  }
0x74: {  	_ =	shalt  }
0x75: {  	_ =	shalt  }
0x76: {  	_ =	shalt  }
0x77: {  	_ =	shalt  }
0x78: {  	_ =	shalt  }
0x79: {  	_ =	shalt  }
0x7a: {  	_ =	shalt  }
0x7b: {  	_ =	shalt  }
0x7c: {  	_ =	shalt  }
0x7d: {  	_ =	shalt  }
0x7e: {  	_ =	shalt  }
0x7f: {  	_ =	shalt  }
0x80: {  	_ =	shalt  }
0x81: {  	_ =	shalt  }
0x82: {  	_ =	shalt  }
0x83: {  	_ =	shalt  }
0x84: {  	_ =	shalt  }
0x85: {  	_ =	shalt  }
0x86: {  	_ =	shalt  }
0x87: {  	_ =	shalt  }
.Lfunc_end0:
.L_simem_size_0:
called_computation.1_lowered:
.L_overlay_start_0:
0x88: {  	s2 =	sld [smem:$0x3FD9]  }
0x89: {  	s3 =	sld [smem:$0x3FFE];
	_ =	sdelay $0x1  }
0x8a: {  	s1 =	srdreg.scid  }
0x8b: {  	s0 =	sand.u32 $0x1, s1  }
0x8c: {  	s17 =	sshll.u32 s0, $0xA;
	s2 =	sadd.s32 s3, s2  }
0x8d: {  	s2 =	sadd.s32 s2, s17  }
0x8e: {  	[smem:$0x3FC2] =	sst s2  }
0x8f: {  	_ = 	snop  }
0x90: {  	s2 =	sld [smem:$0x3FD0];
	(tm) =	ssettm $0x1  }
0x91: {  	s18 =	sld [smem:$0x3FFB];
	_ =	sdelay $0x3  }
0x92: {  	_ =	strace s18  }
0x93: {  	s3 =	sld [smem:$0x3FFC];
	_ =	sdelay $0x3  }
0x94: {  	_ =	strace s3  }
0x95: {  	s3 =	sld [smem:$0x3FFD];
	_ =	sdelay $0x3  }
0x96: {  	_ =	strace s3  }
0x97: {  	_ =	strace $0x8FFFFFFF  }
0x98: {  	s19 =	sld [smem:$0x3FDB];
	_ =	sdelay $0x1  }
0x99: {  	s4 =	simm.s32 $_scs_section_size  }
0x9a: {  	s5 =	simm.s32 $_size__tile_overlayer_lowered;
	s6 =	simm.s32 $_tile_overlayer_lowered  }
0x9b: {  	s22 =	simm.s32 $0x1BFF;
	s21 =	sshll.u32 s6, $0x1;
	s3 =	sadd.s32 s4, s19  }
0x9c: {  	s7 =	simm.s32 $0x0;
	s20 =	sshll.u32 s5, $0x1;
	s5 =	sadd.s32 s21, s3  }
0x9d: {  	[timem:s7], [sflag:s22] =	dma.local [hbm:s5], s20  }
0x9e: {  	_ =	swait.ge [sflag:s22], s20  }
0x9f: {  	s4 =	ssub.s32 $0x0, s20;
	[sflag:s22] =	ssyncset.done $0x0  }
0xa0: {  	[sflag:s22] =	ssyncadd.s32 s4;
	_ =	sdelay $0x1  }
0xa1: {  	s23 =	simm.s32 $0x1B8B  }
0xa2: {  	_ =	swait.ge [sflag:s23], $0x1  }
0xa3: {  	[sflag:s23] =	ssyncset.done $0x0  }
0xa4: {  	s25 =	simm.s32 $0x1B8E;
	s24 =	sld [smem:$0x3FFE];
	[sflag:s23] =	ssyncadd.s32 $0xFFFFFFFF  }
0xa5: {  	s26 =	simm.s32 $execute0_lowered;
	[smem:$0x3FD2] =	sst s25  }
0xa6: {  	s5 =	sshll.u32 s26, $0x1;
	_ =	strace $0x80000049;
	[dreg:$0x1] =	wrdreg $0xFFFFFFFF  }
0xa7: {  	s28 =	simm.s32 $_size_execute0_lowered;
	s3 =	sadd.s32 s3, s5;
	[dreg:$0x0] =	wrdreg $0x0  }
0xa8: {  	s5 =	sshll.u32 s28, $0x1;
	[dreg:$0x2] =	wrdreg s3  }
0xa9: {  	[dreg:$0x3] =	wrdreg s5  }
0xaa: {  	[dreg:$0x4] =	wrdreg $0xC0  }
0xab: {  	_ =	task [dreg:s7], $0x5FFFF  }
0xac: {  	[dreg:$0x1] =	wrdreg $0xFFFFFFFF  }
0xad: {  	[dreg:$0x0] =	wrdreg $0x60  }
0xae: {  	[dreg:$0x2] =	wrdreg s2  }
0xaf: {  	[dreg:$0x3] =	wrdreg s24  }
0xb0: {  	[dreg:$0x4] =	wrdreg $0xB8000  }
0xb1: {  	[dreg:$0x5] =	wrdreg $0x9  }
0xb2: {  	_ =	task.clear_ibuf [dreg:s7], $0x6FFFF;
	_ =	strace $0x90000049  }
0xb3: {  	s29 =	simm.s32 $0x9;
	_ =	strace $0x8000004B  }
0xb4: {  	_ =	swait.ge [sflag:s29], $0x1  }
0xb5: {  	[sflag:s29] =	ssyncadd.s32 $0xFFFFFFFF  }
0xb6: {  	_ =	strace $0x9000004B  }
0xb7: {  	_ =	sfence  }
0xb8: {  	s30 =	sld [smem:$0x0];
	_ =	sdelay $0x2  }
0xb9: {  	s31 =	sshll.u32 s1, $0xD;
	s1 =	sshrl.u32 s1, $0x2  }
0xba: {  	s3 =	sand.u32 $0x4000, s31;
	s1 =	sadd.s32 s1, s30  }
0xbb: {  	s0 =	sor.u32 s3, s0;
	s1 =	sshll.u32 s1, $0x11  }
0xbc: {  	s0 =	sor.u32 s1, s0  }
0xbd: {  	s0 =	sadd.s32 $0x8F2B, s0  }
0xbe: {  	[sflag:s0] =	ssyncadd.remote.s32 $0x1  }
0xbf: {  	_ =	sfence.sel $0xFFFF  }
0xc0: {  	[dreg:$0x0] =	wrdreg $0xFFFFFFFF;
	(pc) =	sbr.abs _section_cstart, $3  }
0xc1: {  	[dreg:$0x1] =	wrdreg $0xFFFFFFFF  }
0xc2: {  	_ =	task.clear_ibuf [dreg:s7], $0x2FFFF;
	_ =	strace $0x9FFFFFFF  }
0xc3: {  	(tm) =	ssettm $0x7FFFFFFF  }
tec
execute0_lowered:
.L_overlay_start_1:
0x0: {  	(tag) =	ssettag $0x1  }
0x1: {  	s1 =	rddreg [dreg:$0x0]  }
0x2: {  	s0 =	rddreg [dreg:$0x1]  }
0x3: {  	s2 =	rddreg [dreg:$0x2]  }
0x4: {  	s3 =	simm.s32 $0x0;
	s4 =	srdreg.scid;
	s17 =	stileid.u32  }
0x5: {  	s19 =	simm.s32 $0x3;
	s23 =	simm.s32 $0x50;
	s28 =	simm.s32 $0x1  }
0x6: {  	s29 =	simm.s32 $0x2;
	s30 =	simm.s32 $0x0;
	[smem:$0x7FF] =	sst s3  }
0x7: {  	s5 =	sadd.s32 $0x77600, s0;
	s6 =	sadd.s32 $0x63600, s0;
	s4 =	sand.u32 $0x1, s4  }
0x8: {  	s8 =	sshll.u32 s17, $0x1;
	s9 =	smul.u32 $0x50000, s17;
	s7 =	sadd.s32 $0x12C00, s0  }
0x9: {  	s0 =	sadd.s32 $0x8B600, s0;
	s16 =	sadd.s32 $0x12C000, s2;
	s13 =	smul.u32 $0x14000, s17  }
0xa: {  	p0 =	seq.s32 s17, $0xF;
	_ =	strace $0x8000004A;
	s10 =	ssub.s32 $0x2, s4  }
0xb: {  	s8 =	sor.u32 s4, s8;
	s4 =	smul.u32 $0x138800, s4;
	s16 =	sshrl.u32 @p0 s16, $0x3  }
0xc: {  	s11 =	sshrl.u32 s10, $0x1;
	s9 =	sshrl.u32 s9, $0x2;
	s12 =	smul.u32 $0x5000, s8  }
0xd: {  	s15 =	ssub.s32 s10, s11;
	s18 =	sadd.s32 s9, s2;
	s13 =	sadd.s32 s13, s4  }
0xe: {  	s4 =	sshrl.u32 s4, $0x3;
	s8 =	sadd.s32 $0x1000, s12;
	s26 =	sshrl.u32 s12, $0x3  }
.Ltmp0:
0xf: {  	s13 =	sshrl.u32 s13, $0x3;
	s4 =	sadd.s32 s0, s4;
	(pc) =	sbr.rel .LBB2_1-.Ltmp0, $4  }
0x10: {  	s15 =	smax.u32 s15, $0x1;
	s18 =	sshrl.u32 @!p0 s18, $0x3;
	s31 =	sshrl.u32 s8, $0x3  }
0x11: {  	s9 =	sadd.s32 s5, s26;
	s10 =	sadd.s32 s6, s26;
	s13 =	sadd.s32 s0, s13  }
0x12: {  	s14 =	sadd.s32 $0x25800, s4;
	s0 =	sshll.u32 @!p0 s17, $0x6;
	s26 =	simm.s32 $0x6800  }
0x13: {  	s11 =	sadd.s32 s5, s31;
	s12 =	sadd.s32 s6, s31;
	s17 =	sor.u32 @!p0 $0x1C03, s0  }
.LBB2_9:
0x14: {  	[bflag:$0x0] =	sbarrier.arrive $0xFFFF;
	s0 =	simm.s32 @p0 $0x1FC3  }
0x15: {  	[hbm:s14], [sflag:s0] =	dma.local @p0 [spmem:s16], $0x1900  }
0x16: {  	s0 =	simm.s32 @p0 $0x3  }
0x17: {  	s30 =	sadd.s32 $0x1, s30;
	_ =	swait.ge @p0 [sflag:s0], $0x1900  }
0x18: {  	p1 =	sne.s32 s30, s15;
	[sflag:s0] =	ssyncset.done @p0 $0x0  }
.Ltmp1:
0x19: {  	[sflag:s0] =	ssyncadd.s32 @p0 $0xFFFFE700;
	s0 =	simm.s32 @!p0 $0x3;
	(pc) =	sbr.rel @!p1 .LBB2_10-.Ltmp1, $4  }
0x1a: {  	[hbm:s13], [sflag:s17] =	dma.local @!p0 [spmem:s18], $0x2800  }
0x1b: {  	_ =	swait.ge @!p0 [sflag:s0], $0x2800  }
0x1c: {  	[sflag:s0] =	ssyncset.done @!p0 $0x0  }
0x1d: {  	[sflag:s0] =	ssyncadd.s32 @!p0 $0xFFFFD800  }
.LBB2_1:
0x1e: {  	s0 =	simm.s32 @p0 $0x1FC3  }
0x1f: {  	[spmem:s16], [sflag:s0] =	dma.local @p0 [hbm:s7], $0x1900  }
0x20: {  	s0 =	simm.s32 @p0 $0x3  }
0x21: {  	_ =	swait.ge @p0 [sflag:s0], $0x1900  }
0x22: {  	[sflag:s0] =	ssyncset.done @p0 $0x0  }
0x23: {  	[sflag:s0] =	ssyncadd.s32 @p0 $0xFFFFE700;
	s0 =	simm.s32 @!p0 $0x3  }
0x24: {  	[spmem:s18], [sflag:s17] =	dma.local @!p0 [hbm:s7], $0x2800  }
0x25: {  	_ =	swait.ge @!p0 [sflag:s0], $0x2800  }
0x26: {  	[sflag:s0] =	ssyncset.done @!p0 $0x0  }
0x27: {  	[sflag:s0] =	ssyncadd.s32 @!p0 $0xFFFFD800  }
0x28: {  	[tilespmem:s3], [sflag:$0x3] =	stream.linear.gather [hbm4b:s9+s3], $0xC80, $0x38;
	[tilespmem:$0x1F080] =	vst v63  }
0x29: {  	_ =	swait.ge [sflag:s19], $0xC80  }
0x2a: {  	[sflag:s19] =	ssyncset.done $0x0  }
0x2b: {  	s20 =	simm.s32 $0x2000;
	[sflag:s19] =	ssyncadd.s32 $0xFFFFF380  }
0x2c: {  	[tilespmem:s20], [sflag:$0x3] =	stream.linear.gather [hbm4b:s10+s3], $0xC80, $0x38;
	[tilespmem:$0x1F080] =	vst v63  }
0x2d: {  	_ =	swait.ge [sflag:s19], $0xC80  }
0x2e: {  	[sflag:s19] =	ssyncset.done $0x0  }
0x2f: {  	s21 =	simm.s32 $0x1000;
	[sflag:s19] =	ssyncadd.s32 $0xFFFFF380  }
0x30: {  	[tilespmem:s21], [sflag:$0x2] =	stream.linear.gather [hbm4b:s11+s3], $0xC80, $0x38;
	[tilespmem:$0x1F080] =	vst v63  }
0x31: {  	s22 =	simm.s32 $0x3000  }
0x32: {  	[tilespmem:s22], [sflag:$0x2] =	stream.linear.gather [hbm4b:s12+s3], $0xC80, $0x38;
	[tilespmem:$0x1F080] =	vst v63  }
0x33: {  	s24 =	simm.s32 $0x4000;
	[bflag:$0x0] =	sbarrier.arrive $0xFFFF  }
0x34: {  	[tilespmem:s24], [sflag:$0x1] =	stream.indirect.gather [hbm4b:s1+s23], $0x80, s3, s23, $0xb8;
	[tilespmem:$0x1F080] =	vst v63  }
0x35: {  	s25 =	simm.s32 $0x80;
	s31 =	simm.s32 $0xFFFFFFE7  }
0x36: {  	[tilespmem:s26], [sflag:$0x1] =	stream.indirect.gather [hbm4b:s1+s23], $0x80, s25, s23, $0xb8;
	[tilespmem:$0x1F080] =	vst v63  }
.LBB2_2:
0x37: {  	s0 =	sadd.s32 $0x19, s31  }
0x38: {  	s4 =	smul.u32 $0x29, s0;
	_ =	sdelay $0x1  }
0x39: {  	s20 =	sshrl.u32 s4, $0xA  }
0x3a: {  	s21 =	sand.u32 $0x3F, s20  }
0x3b: {  	s25 =	smul.u32 $0x19, s21;
	_ =	sdelay $0x1  }
0x3c: {  	p1 =	sgt.u32 s31, $0x4A;
	s4 =	ssub.s32 s0, s25  }
0x3d: {  	s22 =	sand.u32 @!p1 $0xFF, s4  }
0x3e: {  	p2 =	sne.s32 @!p1 s22, $0x0  }
0x3f: {  	p1 =	por p1, p2  }
.Ltmp2:
0x40: {  	_ = 	snop;
	(pc) =	sbr.rel @p1 .LBB2_4-.Ltmp2, $3  }
0x41: {  	_ =	sdelay $0x1  }
0x42: {  	s20 =	sand.u32 $0x1, s20  }
0x43: {  	s20 =	sshll.u32 s20, $0xC  }
0x44: {  	s21 =	sshll.u32 s21, $0xC  }
0x45: {  	s21 =	sadd.s32 s21, s8  }
.Ltmp3:
0x46: {  	s21 =	sshrl.u32 s21, $0x3;
	(pc) =	sbr.rel .LBB2_7-.Ltmp3, $4  }
0x47: {  	s22 =	sxor.u32 $0x1000, s20;
	s24 =	sadd.s32 s5, s21  }
0x48: {  	[tilespmem:s22], [sflag:$0x2] =	stream.linear.gather [hbm4b:s24+s3], $0xC80, $0x38;
	[tilespmem:$0x1F080] =	vst v63  }
0x49: {  	s25 =	sxor.u32 $0x3000, s20;
	s21 =	sadd.s32 s6, s21  }
0x4a: {  	[tilespmem:s25], [sflag:$0x2] =	stream.linear.gather [hbm4b:s21+s3], $0xC80, $0x38;
	[tilespmem:$0x1F080] =	vst v63  }
.LBB2_4:
0x4b: {  	p1 =	sgt.u32 s0, $0x63  }
0x4c: {  	s21 =	sand.u32 @!p1 $0xFF, s4  }
0x4d: {  	p2 =	sne.s32 @!p1 s21, $0x17  }
0x4e: {  	p1 =	por p1, p2  }
.Ltmp4:
0x4f: {  	_ = 	snop;
	(pc) =	sbr.rel @p1 .LBB2_6-.Ltmp4, $1  }
0x50: {  	_ =	sdelay $0x3  }
0x51: {  	_ =	swait.ge [sflag:s29], $0xC80  }
0x52: {  	[sflag:s29] =	ssyncset.done $0x0  }
0x53: {  	[sflag:s29] =	ssyncadd.s32 $0xFFFFF380  }
0x54: {  	_ =	swait.ge [sflag:s29], $0xC80  }
0x55: {  	[sflag:s29] =	ssyncset.done $0x0  }
0x56: {  	[sflag:s29] =	ssyncadd.s32 $0xFFFFF380  }
.LBB2_7:
0x57: {  	s21 =	sadd.s32 $0x2, s0  }
0x58: {  	s22 =	sand.u32 $0xFF, s21  }
0x59: {  	s24 =	smul.u32 $0xAB, s22;
	_ =	sdelay $0x1  }
0x5a: {  	s22 =	smul.u32 $0x29, s22;
	s24 =	sshrl.u32 s24, $0x9  }
0x5b: {  	s24 =	smul.u32 $0x3, s24  }
0x5c: {  	s25 =	sshrl.u32 s22, $0xA  }
0x5d: {  	s25 =	smul.u32 $0x19, s25;
	s24 =	ssub.s32 s21, s24  }
0x5e: {  	s24 =	sand.u32 $0xFF, s24  }
0x5f: {  	s21 =	ssub.s32 s21, s25;
	s24 =	smul.u32 $0xA000, s24  }
0x60: {  	s22 =	sshll.u32 s22, $0x2;
	s21 =	sand.u32 $0xFF, s21  }
0x61: {  	s22 =	sand.u32 $0x1000, s22;
	s21 =	sshll.u32 s21, $0x7;
	s24 =	sshrl.u32 s24, $0x2  }
0x62: {  	s21 =	sor.u32 s21, s22;
	s24 =	sadd.s32 $0x4000, s24  }
0x63: {  	[tilespmem:s24], [sflag:$0x1] =	stream.indirect.gather [hbm4b:s1+s23], $0x80, s21, s23, $0xb8;
	[tilespmem:$0x1F080] =	vst v63  }
.LBB2_8:
0x64: {  	s21 =	smul.u32 $0xAB, s0;
	_ =	sdelay $0x1  }
0x65: {  	s21 =	sshrl.u32 s21, $0x9  }
0x66: {  	s21 =	sand.u32 $0x7F, s21  }
0x67: {  	s21 =	smul.u32 $0x3, s21;
	_ =	sdelay $0x1  }
0x68: {  	s25 =	ssub.s32 s0, s21  }
0x69: {  	s0 =	sand.u32 $0xFF, s25  }
0x6a: {  	s4 =	sand.u32 $0xFF, s4;
	_ =	swait.ge [sflag:s28], $0x2800;
	s0 =	smul.u32 $0xA000, s0  }
0x6b: {  	s31 =	sadd.s32 $0x1, s31;
	s4 =	sshll.u32 s4, $0x7;
	[sflag:s28] =	ssyncset.done $0x0  }
0x6c: {  	p1 =	sne.s32 s31, $0x64;
	s4 =	sadd.s32 s4, s20;
	s0 =	sshrl.u32 s0, $0x2  }
0x6d: {  	[sflag:s28] =	ssyncadd.s32 $0xFFFFD800;
	s4 =	sadd.s32 $0x2000, s4;
	s0 =	sadd.s32 $0x4000, s0  }
0x6e: {  	[spmem:s2] =	stream.indirect.scatter.add.f32 [tilespmem:s0], [sflag:$0x3], $0x80, s4, s23, $0xb8;
	[tilespmem:$0x1F080] =	vst v63  }
.Ltmp5:
0x6f: {  	_ = 	snop;
	(pc) =	sbr.rel @p1 .LBB2_2-.Ltmp5, $4  }
.Ltmp6:
0x70: {  	_ = 	snop;
	(pc) =	sbr.rel @!p1 .LBB2_9-.Ltmp6, $4  }
0x71: {  	_ =	swait.ge [sflag:s19], $0x2800  }
0x72: {  	[sflag:s19] =	ssyncset.done $0x0  }
0x73: {  	[sflag:s19] =	ssyncadd.s32 $0xFFFFD800  }
0x74: {  	_ = 	snop  }
.LBB2_6:
0x75: {  	p1 =	sgt.u32 s0, $0x7A  }
.Ltmp7:
0x76: {  	_ = 	snop;
	(pc) =	sbr.rel @p1 .LBB2_8-.Ltmp7, $4  }
.Ltmp8:
0x77: {  	_ = 	snop;
	(pc) =	sbr.rel @!p1 .LBB2_7-.Ltmp8, $4  }
0x78: {  	_ = 	snop  }
0x79: {  	_ = 	snop  }
0x7a: {  	_ = 	snop  }
0x7b: {  	_ = 	snop  }
.LBB2_10:
0x7c: {  	_ =	sfence.sel $0x180000  }
0x7d: {  	[bflag:$0x0] =	sbarrier.arrive $0xFFFF  }
0x7e: {  	_ =	strace $0x9000004A  }
0x7f: {  	s0 =	stileid.u32;
	[bflag:$0x2] =	sbarrier.arrive $0xFFFF  }
0x80: {  	p0 =	sne.s32 s0, $0x0;
	s0 =	rddreg [dreg:$0x3]  }
0x81: {  	s0 =	sadd.s32 @!p0 $0x100000, s0  }
0x82: {  	[sflag:s0] =	ssyncadd.tile.s32 @!p0 $0x1;
	_ =	shalt  }
.Lfunc_end2:
_tile_overlayer_lowered:
.L_overlay_start_2:
0x83: {  	(tag) =	ssettag $0x2  }
0x84: {  	s0 =	rddreg [dreg:$0x0];
	s2 =	stileid.u32  }
0x85: {  	s1 =	rddreg [dreg:$0x1];
	p0 =	sne.s32 s2, $0x0  }
0x86: {  	s3 =	rddreg [dreg:$0x2];
	[bflag:$0x3] =	sbarrier.arrive $0xFFFF;
	s2 =	simm.s32 @!p0 $0x1C03  }
0x87: {  	[timem:s3], [sflag:s2] =	dma.local @!p0 [hbm:s0], s1  }
0x88: {  	s0 =	simm.s32 @!p0 $0x3  }
0x89: {  	_ =	swait.ge @!p0 [sflag:s0], s1  }
0x8a: {  	s1 =	ssub.s32 @!p0 $0x0, s1;
	[sflag:s0] =	ssyncset.done @!p0 $0x0  }
0x8b: {  	[sflag:s0] =	ssyncadd.s32 @!p0 s1  }
0x8c: {  	[bflag:$0x3] =	sbarrier.arrive $0xFFFF  }
0x8d: {  	_ =	shalt  }

// kernel: kernel.14.cloned.1.call-start
scs
__scs_entry_jumppad:
0x0: {  	(pc) =	sbr.rel $0x88, $3  }
0x1: {  	(tag) =	ssettag $0x0;
	lr =	simm.s32 $0x1  }
0x2: {  	[smem:$0x3F9B] =	sst lr;
	_ =	strace $0xD0000000  }
0x3: {  	_ = 	snop  }
0x4: {  	_ = 	snop  }
0x5: {  	_ = 	snop  }
0x6: {  	_ = 	snop  }
0x7: {  	_ = 	snop  }
__scs_overlays_trampoline_lowered:
0x8: {  	[smem:$0x3FAA] =	sst s0  }
0x9: {  	[smem:$0x3FAB] =	sst s1  }
0xa: {  	[smem:$0x3FAC] =	sst s2  }
0xb: {  	[smem:$0x3FAD] =	sst s3  }
0xc: {  	[smem:$0x3FAE] =	sst s4  }
0xd: {  	[smem:$0x3FAF] =	sst s5  }
0xe: {  	[smem:$0x3FB0] =	sst s6  }
0xf: {  	[smem:$0x3FB1] =	sst s7  }
0x10: {  	[smem:$0x3FB2] =	sst s8  }
0x11: {  	[smem:$0x3FB3] =	sst s9;
	s0 =	simm.s32 @!p0 $0x0  }
0x12: {  	s1 =	sld [smem:$0x3F99];
	s0 =	simm.s32 @p0 $0x1  }
0x13: {  	[smem:$0x3FB4] =	sst s0;
	s0 =	simm.s32 @!p1 $0x0  }
0x14: {  	s2 =	sld [smem:$0x3F98];
	s0 =	simm.s32 @p1 $0x1  }
0x15: {  	[smem:$0x3FB5] =	sst s0;
	s0 =	simm.s32 @!p2 $0x0  }
0x16: {  	s3 =	sld [smem:$0x3FDB];
	s0 =	simm.s32 @p2 $0x1  }
0x17: {  	s4 =	simm.s32 $0x1BF5;
	[smem:$0x3FB7] =	sst s0  }
0x18: {  	s0 =	sld [smem:$0x3F9A];
	_ =	swait.ge [sflag:s4], $0x0  }
0x19: {  	s7 =	sld [smem:$0x3F9B]  }
0x1a: {  	s8 =	sadd.s32 $0xFFFFE003, lr  }
0x1b: {  	s9 =	sadd.s32 $0xFFFFFEF7, lr;
	s5 =	simm.s32 $0xFFFFFFFF;
	p2 =	slt.u32 s8, $0xFFFFF086  }
0x1c: {  	p1 =	slt.u32 s9, $0xF7A;
	s5 =	simm.s32 @!p2 $0x0  }
0x1d: {  	s5 =	simm.s32 @p1 $0x1;
	p0 =	seq.s32 s7, s2  }
0x1e: {  	s7 =	smul.u32 @!p0 $0xF7A, s2;
	p2 =	seq.s32 @!p0 s5, $0x0  }
0x1f: {  	s9 =	smul.u32 $0xF7A, s1;
	s8 =	simm.s32 @!p0 $0x1BF5;
	p2 =	por !p2, p0  }
0x20: {  	[sflag:s8] =	ssyncset.s32 @!p0 $0xFFFFF086;
	s6 =	sadd.s32 @!p0 s3, s7;
	s7 =	simm.s32 @!p0 $0x108  }
0x21: {  	s3 =	sadd.s32 s3, s9;
	s6 =	sadd.s32 @!p0 $0x88, s6;
	s7 =	simm.s32 @p2 $0x1082  }
0x22: {  	[simem:s7], [sflag:s8] =	dma.local @!p0 [hbm:s6], $0xF7A  }
0x23: {  	s9 =	sor.u32 $0xD0000000, s2;
	s6 =	simm.s32 $0x108;
	_ =	swait.ge @!p0 [sflag:s8], $0x0  }
0x24: {  	s3 =	sadd.s32 $0x88, s3;
	s6 =	simm.s32 @!p1 $0x1082;
	[sflag:s4] =	ssyncset.s32 $0xFFFFF086  }
0x25: {  	[simem:s6], [sflag:s4] =	dma.local [hbm:s3], $0xF7A  }
0x26: {  	[smem:$0x3F9B] =	sst s1;
	(tag) =	ssettag s2;
	_ =	strace s9  }
0x27: {  	s1 =	sld [smem:$0x3FAB]  }
0x28: {  	s2 =	sld [smem:$0x3FAC]  }
0x29: {  	s4 =	sld [smem:$0x3FAE]  }
0x2a: {  	p0 =	seq.s32 s5, $0x0;
	s5 =	sld [smem:$0x3FAF]  }
0x2b: {  	s6 =	sld [smem:$0x3FB0]  }
0x2c: {  	s7 =	sld [smem:$0x3FB1]  }
0x2d: {  	s3 =	simm.s32 $0x108;
	s8 =	sld [smem:$0x3FB2]  }
0x2e: {  	s3 =	simm.s32 @!p0 $0x1082;
	s9 =	sld [smem:$0x3FB3]  }
0x2f: {  	lr =	sadd.s32 s0, s3;
	s0 =	sld [smem:$0x3FAA]  }
0x30: {  	s3 =	sld [smem:$0x3FAD]  }
0x31: {  	[smem:$0x3FB6] =	sst s10  }
0x32: {  	s10 =	sld [smem:$0x3FB4];
	_ =	sdelay $0x3  }
0x33: {  	p0 =	seq.s32 s10, $0x1;
	s10 =	sld [smem:$0x3FB6];
	_ =	sdelay $0x3  }
0x34: {  	[smem:$0x3FB6] =	sst s10  }
0x35: {  	s10 =	sld [smem:$0x3FB5];
	_ =	sdelay $0x3  }
0x36: {  	p1 =	seq.s32 s10, $0x1;
	s10 =	sld [smem:$0x3FB6];
	_ =	sdelay $0x3  }
0x37: {  	[smem:$0x3FB6] =	sst s10  }
0x38: {  	s10 =	sld [smem:$0x3FB7]  }
0x39: {  	_ = 	snop;
	(pc) =	sbr.ind lr, $3  }
0x3a: {  	_ = 	snop  }
0x3b: {  	_ = 	snop  }
0x3c: {  	p2 =	seq.s32 s10, $0x1;
	s10 =	sld [smem:$0x3FB6]  }
0x3d: {  	_ =	shalt  }
0x3e: {  	_ =	shalt  }
0x3f: {  	_ =	shalt  }
0x40: {  	_ =	shalt  }
0x41: {  	_ =	shalt  }
0x42: {  	_ =	shalt  }
0x43: {  	_ =	shalt  }
0x44: {  	_ =	shalt  }
0x45: {  	_ =	shalt  }
0x46: {  	_ =	shalt  }
0x47: {  	_ =	shalt  }
0x48: {  	_ =	shalt  }
0x49: {  	_ =	shalt  }
0x4a: {  	_ =	shalt  }
0x4b: {  	_ =	shalt  }
0x4c: {  	_ =	shalt  }
0x4d: {  	_ =	shalt  }
0x4e: {  	_ =	shalt  }
0x4f: {  	_ =	shalt  }
0x50: {  	_ =	shalt  }
0x51: {  	_ =	shalt  }
0x52: {  	_ =	shalt  }
0x53: {  	_ =	shalt  }
0x54: {  	_ =	shalt  }
0x55: {  	_ =	shalt  }
0x56: {  	_ =	shalt  }
0x57: {  	_ =	shalt  }
0x58: {  	_ =	shalt  }
0x59: {  	_ =	shalt  }
0x5a: {  	_ =	shalt  }
0x5b: {  	_ =	shalt  }
0x5c: {  	_ =	shalt  }
0x5d: {  	_ =	shalt  }
0x5e: {  	_ =	shalt  }
0x5f: {  	_ =	shalt  }
0x60: {  	_ =	shalt  }
0x61: {  	_ =	shalt  }
0x62: {  	_ =	shalt  }
0x63: {  	_ =	shalt  }
0x64: {  	_ =	shalt  }
0x65: {  	_ =	shalt  }
0x66: {  	_ =	shalt  }
0x67: {  	_ =	shalt  }
0x68: {  	_ =	shalt  }
0x69: {  	_ =	shalt  }
0x6a: {  	_ =	shalt  }
0x6b: {  	_ =	shalt  }
0x6c: {  	_ =	shalt  }
0x6d: {  	_ =	shalt  }
0x6e: {  	_ =	shalt  }
0x6f: {  	_ =	shalt  }
0x70: {  	_ =	shalt  }
0x71: {  	_ =	shalt  }
0x72: {  	_ =	shalt  }
0x73: {  	_ =	shalt  }
0x74: {  	_ =	shalt  }
0x75: {  	_ =	shalt  }
0x76: {  	_ =	shalt  }
0x77: {  	_ =	shalt  }
0x78: {  	_ =	shalt  }
0x79: {  	_ =	shalt  }
0x7a: {  	_ =	shalt  }
0x7b: {  	_ =	shalt  }
0x7c: {  	_ =	shalt  }
0x7d: {  	_ =	shalt  }
0x7e: {  	_ =	shalt  }
0x7f: {  	_ =	shalt  }
0x80: {  	_ =	shalt  }
0x81: {  	_ =	shalt  }
0x82: {  	_ =	shalt  }
0x83: {  	_ =	shalt  }
0x84: {  	_ =	shalt  }
0x85: {  	_ =	shalt  }
0x86: {  	_ =	shalt  }
0x87: {  	_ =	shalt  }
.Lfunc_end0:
.L_simem_size_0:
called_computation.2_lowered:
.L_overlay_start_0:
0x88: {  	s2 =	sld [smem:$0x3FD9]  }
0x89: {  	s3 =	sld [smem:$0x3FFE];
	_ =	sdelay $0x1  }
0x8a: {  	s1 =	srdreg.scid  }
0x8b: {  	s0 =	sand.u32 $0x1, s1  }
0x8c: {  	s17 =	sshll.u32 s0, $0xA;
	s2 =	sadd.s32 s3, s2  }
0x8d: {  	s2 =	sadd.s32 s2, s17  }
0x8e: {  	[smem:$0x3FC2] =	sst s2  }
0x8f: {  	_ = 	snop  }
0x90: {  	s2 =	sld [smem:$0x3FD0];
	(tm) =	ssettm $0x1  }
0x91: {  	s18 =	sld [smem:$0x3FFB];
	_ =	sdelay $0x3  }
0x92: {  	_ =	strace s18  }
0x93: {  	s3 =	sld [smem:$0x3FFC];
	_ =	sdelay $0x3  }
0x94: {  	_ =	strace s3  }
0x95: {  	s3 =	sld [smem:$0x3FFD];
	_ =	sdelay $0x3  }
0x96: {  	_ =	strace s3  }
0x97: {  	_ =	strace $0x8FFFFFFF  }
0x98: {  	s19 =	sld [smem:$0x3FDB];
	_ =	sdelay $0x1  }
0x99: {  	s4 =	simm.s32 $_scs_section_size  }
0x9a: {  	s5 =	simm.s32 $_size__tile_overlayer_lowered;
	s6 =	simm.s32 $_tile_overlayer_lowered  }
0x9b: {  	s22 =	simm.s32 $0x1BFF;
	s21 =	sshll.u32 s6, $0x1;
	s3 =	sadd.s32 s4, s19  }
0x9c: {  	s7 =	simm.s32 $0x0;
	s20 =	sshll.u32 s5, $0x1;
	s5 =	sadd.s32 s21, s3  }
0x9d: {  	[timem:s7], [sflag:s22] =	dma.local [hbm:s5], s20  }
0x9e: {  	_ =	swait.ge [sflag:s22], s20  }
0x9f: {  	s4 =	ssub.s32 $0x0, s20;
	[sflag:s22] =	ssyncset.done $0x0  }
0xa0: {  	[sflag:s22] =	ssyncadd.s32 s4;
	_ =	sdelay $0x1  }
0xa1: {  	s23 =	simm.s32 $0x1B8B  }
0xa2: {  	_ =	swait.ge [sflag:s23], $0x1  }
0xa3: {  	[sflag:s23] =	ssyncset.done $0x0  }
0xa4: {  	s25 =	simm.s32 $0x1B8E;
	s24 =	sld [smem:$0x3FFE];
	[sflag:s23] =	ssyncadd.s32 $0xFFFFFFFF  }
0xa5: {  	s26 =	simm.s32 $execute0_lowered;
	[smem:$0x3FD2] =	sst s25  }
0xa6: {  	s5 =	sshll.u32 s26, $0x1;
	_ =	strace $0x8000004C;
	[dreg:$0x1] =	wrdreg $0xFFFFFFFF  }
0xa7: {  	s28 =	simm.s32 $_size_execute0_lowered;
	s3 =	sadd.s32 s3, s5;
	[dreg:$0x0] =	wrdreg $0x0  }
0xa8: {  	s5 =	sshll.u32 s28, $0x1;
	[dreg:$0x2] =	wrdreg s3  }
0xa9: {  	[dreg:$0x3] =	wrdreg s5  }
0xaa: {  	[dreg:$0x4] =	wrdreg $0xC0  }
0xab: {  	_ =	task [dreg:s7], $0x5FFFF  }
0xac: {  	[dreg:$0x1] =	wrdreg $0xFFFFFFFF  }
0xad: {  	[dreg:$0x0] =	wrdreg $0x60  }
0xae: {  	[dreg:$0x2] =	wrdreg s2  }
0xaf: {  	[dreg:$0x3] =	wrdreg s24  }
0xb0: {  	[dreg:$0x4] =	wrdreg $0xB8000  }
0xb1: {  	[dreg:$0x5] =	wrdreg $0x9  }
0xb2: {  	_ =	task.clear_ibuf [dreg:s7], $0x6FFFF;
	_ =	strace $0x9000004C  }
0xb3: {  	s29 =	simm.s32 $0x9;
	_ =	strace $0x8000004E  }
0xb4: {  	_ =	swait.ge [sflag:s29], $0x1  }
0xb5: {  	[sflag:s29] =	ssyncadd.s32 $0xFFFFFFFF  }
0xb6: {  	_ =	strace $0x9000004E  }
0xb7: {  	_ =	sfence  }
0xb8: {  	s30 =	sld [smem:$0x0];
	_ =	sdelay $0x2  }
0xb9: {  	s31 =	sshll.u32 s1, $0xD;
	s1 =	sshrl.u32 s1, $0x2  }
0xba: {  	s3 =	sand.u32 $0x4000, s31;
	s1 =	sadd.s32 s1, s30  }
0xbb: {  	s0 =	sor.u32 s3, s0;
	s1 =	sshll.u32 s1, $0x11  }
0xbc: {  	s0 =	sor.u32 s1, s0  }
0xbd: {  	s0 =	sadd.s32 $0x8F2B, s0  }
0xbe: {  	[sflag:s0] =	ssyncadd.remote.s32 $0x1  }
0xbf: {  	_ =	sfence.sel $0xFFFF  }
0xc0: {  	[dreg:$0x0] =	wrdreg $0xFFFFFFFF;
	(pc) =	sbr.abs _section_cstart, $3  }
0xc1: {  	[dreg:$0x1] =	wrdreg $0xFFFFFFFF  }
0xc2: {  	_ =	task.clear_ibuf [dreg:s7], $0x2FFFF;
	_ =	strace $0x9FFFFFFF  }
0xc3: {  	(tm) =	ssettm $0x7FFFFFFF  }
tec
execute0_lowered:
.L_overlay_start_1:
0x0: {  	(tag) =	ssettag $0x1  }
0x1: {  	s1 =	rddreg [dreg:$0x0]  }
0x2: {  	s0 =	rddreg [dreg:$0x1]  }
0x3: {  	s2 =	rddreg [dreg:$0x2]  }
0x4: {  	s3 =	simm.s32 $0x0;
	s4 =	srdreg.scid;
	s17 =	stileid.u32  }
0x5: {  	s19 =	simm.s32 $0x3;
	s23 =	simm.s32 $0x50;
	s28 =	simm.s32 $0x1  }
0x6: {  	s29 =	simm.s32 $0x2;
	s30 =	simm.s32 $0x0;
	[smem:$0x7FF] =	sst s3  }
0x7: {  	s5 =	sadd.s32 $0x77600, s0;
	s6 =	sadd.s32 $0x63600, s0;
	s4 =	sand.u32 $0x1, s4  }
0x8: {  	s8 =	sshll.u32 s17, $0x1;
	s9 =	smul.u32 $0x50000, s17;
	s7 =	sadd.s32 $0x12C00, s0  }
0x9: {  	s0 =	sadd.s32 $0x8B600, s0;
	s16 =	sadd.s32 $0x12C000, s2;
	s13 =	smul.u32 $0x14000, s17  }
0xa: {  	p0 =	seq.s32 s17, $0xF;
	_ =	strace $0x8000004D;
	s10 =	ssub.s32 $0x2, s4  }
0xb: {  	s8 =	sor.u32 s4, s8;
	s4 =	smul.u32 $0x138800, s4;
	s16 =	sshrl.u32 @p0 s16, $0x3  }
0xc: {  	s11 =	sshrl.u32 s10, $0x1;
	s9 =	sshrl.u32 s9, $0x2;
	s12 =	smul.u32 $0x5000, s8  }
0xd: {  	s15 =	ssub.s32 s10, s11;
	s18 =	sadd.s32 s9, s2;
	s13 =	sadd.s32 s13, s4  }
0xe: {  	s4 =	sshrl.u32 s4, $0x3;
	s8 =	sadd.s32 $0x1000, s12;
	s26 =	sshrl.u32 s12, $0x3  }
.Ltmp0:
0xf: {  	s13 =	sshrl.u32 s13, $0x3;
	s4 =	sadd.s32 s0, s4;
	(pc) =	sbr.rel .LBB2_1-.Ltmp0, $4  }
0x10: {  	s15 =	smax.u32 s15, $0x1;
	s18 =	sshrl.u32 @!p0 s18, $0x3;
	s31 =	sshrl.u32 s8, $0x3  }
0x11: {  	s9 =	sadd.s32 s5, s26;
	s10 =	sadd.s32 s6, s26;
	s13 =	sadd.s32 s0, s13  }
0x12: {  	s14 =	sadd.s32 $0x25800, s4;
	s0 =	sshll.u32 @!p0 s17, $0x6;
	s26 =	simm.s32 $0x6800  }
0x13: {  	s11 =	sadd.s32 s5, s31;
	s12 =	sadd.s32 s6, s31;
	s17 =	sor.u32 @!p0 $0x1C03, s0  }
.LBB2_9:
0x14: {  	[bflag:$0x0] =	sbarrier.arrive $0xFFFF;
	s0 =	simm.s32 @p0 $0x1FC3  }
0x15: {  	[hbm:s14], [sflag:s0] =	dma.local @p0 [spmem:s16], $0x1900  }
0x16: {  	s0 =	simm.s32 @p0 $0x3  }
0x17: {  	s30 =	sadd.s32 $0x1, s30;
	_ =	swait.ge @p0 [sflag:s0], $0x1900  }
0x18: {  	p1 =	sne.s32 s30, s15;
	[sflag:s0] =	ssyncset.done @p0 $0x0  }
.Ltmp1:
0x19: {  	[sflag:s0] =	ssyncadd.s32 @p0 $0xFFFFE700;
	s0 =	simm.s32 @!p0 $0x3;
	(pc) =	sbr.rel @!p1 .LBB2_10-.Ltmp1, $4  }
0x1a: {  	[hbm:s13], [sflag:s17] =	dma.local @!p0 [spmem:s18], $0x2800  }
0x1b: {  	_ =	swait.ge @!p0 [sflag:s0], $0x2800  }
0x1c: {  	[sflag:s0] =	ssyncset.done @!p0 $0x0  }
0x1d: {  	[sflag:s0] =	ssyncadd.s32 @!p0 $0xFFFFD800  }
.LBB2_1:
0x1e: {  	s0 =	simm.s32 @p0 $0x1FC3  }
0x1f: {  	[spmem:s16], [sflag:s0] =	dma.local @p0 [hbm:s7], $0x1900  }
0x20: {  	s0 =	simm.s32 @p0 $0x3  }
0x21: {  	_ =	swait.ge @p0 [sflag:s0], $0x1900  }
0x22: {  	[sflag:s0] =	ssyncset.done @p0 $0x0  }
0x23: {  	[sflag:s0] =	ssyncadd.s32 @p0 $0xFFFFE700;
	s0 =	simm.s32 @!p0 $0x3  }
0x24: {  	[spmem:s18], [sflag:s17] =	dma.local @!p0 [hbm:s7], $0x2800  }
0x25: {  	_ =	swait.ge @!p0 [sflag:s0], $0x2800  }
0x26: {  	[sflag:s0] =	ssyncset.done @!p0 $0x0  }
0x27: {  	[sflag:s0] =	ssyncadd.s32 @!p0 $0xFFFFD800  }
0x28: {  	[tilespmem:s3], [sflag:$0x3] =	stream.linear.gather [hbm4b:s9+s3], $0xC80, $0x38;
	[tilespmem:$0x1F080] =	vst v63  }
0x29: {  	_ =	swait.ge [sflag:s19], $0xC80  }
0x2a: {  	[sflag:s19] =	ssyncset.done $0x0  }
0x2b: {  	s20 =	simm.s32 $0x2000;
	[sflag:s19] =	ssyncadd.s32 $0xFFFFF380  }
0x2c: {  	[tilespmem:s20], [sflag:$0x3] =	stream.linear.gather [hbm4b:s10+s3], $0xC80, $0x38;
	[tilespmem:$0x1F080] =	vst v63  }
0x2d: {  	_ =	swait.ge [sflag:s19], $0xC80  }
0x2e: {  	[sflag:s19] =	ssyncset.done $0x0  }
0x2f: {  	s21 =	simm.s32 $0x1000;
	[sflag:s19] =	ssyncadd.s32 $0xFFFFF380  }
0x30: {  	[tilespmem:s21], [sflag:$0x2] =	stream.linear.gather [hbm4b:s11+s3], $0xC80, $0x38;
	[tilespmem:$0x1F080] =	vst v63  }
0x31: {  	s22 =	simm.s32 $0x3000  }
0x32: {  	[tilespmem:s22], [sflag:$0x2] =	stream.linear.gather [hbm4b:s12+s3], $0xC80, $0x38;
	[tilespmem:$0x1F080] =	vst v63  }
0x33: {  	s24 =	simm.s32 $0x4000;
	[bflag:$0x0] =	sbarrier.arrive $0xFFFF  }
0x34: {  	[tilespmem:s24], [sflag:$0x1] =	stream.indirect.gather [hbm4b:s1+s23], $0x80, s3, s23, $0xb8;
	[tilespmem:$0x1F080] =	vst v63  }
0x35: {  	s25 =	simm.s32 $0x80;
	s31 =	simm.s32 $0xFFFFFFE7  }
0x36: {  	[tilespmem:s26], [sflag:$0x1] =	stream.indirect.gather [hbm4b:s1+s23], $0x80, s25, s23, $0xb8;
	[tilespmem:$0x1F080] =	vst v63  }
.LBB2_2:
0x37: {  	s0 =	sadd.s32 $0x19, s31  }
0x38: {  	s4 =	smul.u32 $0x29, s0;
	_ =	sdelay $0x1  }
0x39: {  	s20 =	sshrl.u32 s4, $0xA  }
0x3a: {  	s21 =	sand.u32 $0x3F, s20  }
0x3b: {  	s25 =	smul.u32 $0x19, s21;
	_ =	sdelay $0x1  }
0x3c: {  	p1 =	sgt.u32 s31, $0x4A;
	s4 =	ssub.s32 s0, s25  }
0x3d: {  	s22 =	sand.u32 @!p1 $0xFF, s4  }
0x3e: {  	p2 =	sne.s32 @!p1 s22, $0x0  }
0x3f: {  	p1 =	por p1, p2  }
.Ltmp2:
0x40: {  	_ = 	snop;
	(pc) =	sbr.rel @p1 .LBB2_4-.Ltmp2, $3  }
0x41: {  	_ =	sdelay $0x1  }
0x42: {  	s20 =	sand.u32 $0x1, s20  }
0x43: {  	s20 =	sshll.u32 s20, $0xC  }
0x44: {  	s21 =	sshll.u32 s21, $0xC  }
0x45: {  	s21 =	sadd.s32 s21, s8  }
.Ltmp3:
0x46: {  	s21 =	sshrl.u32 s21, $0x3;
	(pc) =	sbr.rel .LBB2_7-.Ltmp3, $4  }
0x47: {  	s22 =	sxor.u32 $0x1000, s20;
	s24 =	sadd.s32 s5, s21  }
0x48: {  	[tilespmem:s22], [sflag:$0x2] =	stream.linear.gather [hbm4b:s24+s3], $0xC80, $0x38;
	[tilespmem:$0x1F080] =	vst v63  }
0x49: {  	s25 =	sxor.u32 $0x3000, s20;
	s21 =	sadd.s32 s6, s21  }
0x4a: {  	[tilespmem:s25], [sflag:$0x2] =	stream.linear.gather [hbm4b:s21+s3], $0xC80, $0x38;
	[tilespmem:$0x1F080] =	vst v63  }
.LBB2_4:
0x4b: {  	p1 =	sgt.u32 s0, $0x63  }
0x4c: {  	s21 =	sand.u32 @!p1 $0xFF, s4  }
0x4d: {  	p2 =	sne.s32 @!p1 s21, $0x17  }
0x4e: {  	p1 =	por p1, p2  }
.Ltmp4:
0x4f: {  	_ = 	snop;
	(pc) =	sbr.rel @p1 .LBB2_6-.Ltmp4, $1  }
0x50: {  	_ =	sdelay $0x3  }
0x51: {  	_ =	swait.ge [sflag:s29], $0xC80  }
0x52: {  	[sflag:s29] =	ssyncset.done $0x0  }
0x53: {  	[sflag:s29] =	ssyncadd.s32 $0xFFFFF380  }
0x54: {  	_ =	swait.ge [sflag:s29], $0xC80  }
0x55: {  	[sflag:s29] =	ssyncset.done $0x0  }
0x56: {  	[sflag:s29] =	ssyncadd.s32 $0xFFFFF380  }
.LBB2_7:
0x57: {  	s21 =	sadd.s32 $0x2, s0  }
0x58: {  	s22 =	sand.u32 $0xFF, s21  }
0x59: {  	s24 =	smul.u32 $0xAB, s22;
	_ =	sdelay $0x1  }
0x5a: {  	s22 =	smul.u32 $0x29, s22;
	s24 =	sshrl.u32 s24, $0x9  }
0x5b: {  	s24 =	smul.u32 $0x3, s24  }
0x5c: {  	s25 =	sshrl.u32 s22, $0xA  }
0x5d: {  	s25 =	smul.u32 $0x19, s25;
	s24 =	ssub.s32 s21, s24  }
0x5e: {  	s24 =	sand.u32 $0xFF, s24  }
0x5f: {  	s21 =	ssub.s32 s21, s25;
	s24 =	smul.u32 $0xA000, s24  }
0x60: {  	s22 =	sshll.u32 s22, $0x2;
	s21 =	sand.u32 $0xFF, s21  }
0x61: {  	s22 =	sand.u32 $0x1000, s22;
	s21 =	sshll.u32 s21, $0x7;
	s24 =	sshrl.u32 s24, $0x2  }
0x62: {  	s21 =	sor.u32 s21, s22;
	s24 =	sadd.s32 $0x4000, s24  }
0x63: {  	[tilespmem:s24], [sflag:$0x1] =	stream.indirect.gather [hbm4b:s1+s23], $0x80, s21, s23, $0xb8;
	[tilespmem:$0x1F080] =	vst v63  }
.LBB2_8:
0x64: {  	s21 =	smul.u32 $0xAB, s0;
	_ =	sdelay $0x1  }
0x65: {  	s21 =	sshrl.u32 s21, $0x9  }
0x66: {  	s21 =	sand.u32 $0x7F, s21  }
0x67: {  	s21 =	smul.u32 $0x3, s21;
	_ =	sdelay $0x1  }
0x68: {  	s25 =	ssub.s32 s0, s21  }
0x69: {  	s0 =	sand.u32 $0xFF, s25  }
0x6a: {  	s4 =	sand.u32 $0xFF, s4;
	_ =	swait.ge [sflag:s28], $0x2800;
	s0 =	smul.u32 $0xA000, s0  }
0x6b: {  	s31 =	sadd.s32 $0x1, s31;
	s4 =	sshll.u32 s4, $0x7;
	[sflag:s28] =	ssyncset.done $0x0  }
0x6c: {  	p1 =	sne.s32 s31, $0x64;
	s4 =	sadd.s32 s4, s20;
	s0 =	sshrl.u32 s0, $0x2  }
0x6d: {  	[sflag:s28] =	ssyncadd.s32 $0xFFFFD800;
	s4 =	sadd.s32 $0x2000, s4;
	s0 =	sadd.s32 $0x4000, s0  }
0x6e: {  	[spmem:s2] =	stream.indirect.scatter.add.f32 [tilespmem:s0], [sflag:$0x3], $0x80, s4, s23, $0xb8;
	[tilespmem:$0x1F080] =	vst v63  }
.Ltmp5:
0x6f: {  	_ = 	snop;
	(pc) =	sbr.rel @p1 .LBB2_2-.Ltmp5, $4  }
.Ltmp6:
0x70: {  	_ = 	snop;
	(pc) =	sbr.rel @!p1 .LBB2_9-.Ltmp6, $4  }
0x71: {  	_ =	swait.ge [sflag:s19], $0x2800  }
0x72: {  	[sflag:s19] =	ssyncset.done $0x0  }
0x73: {  	[sflag:s19] =	ssyncadd.s32 $0xFFFFD800  }
0x74: {  	_ = 	snop  }
.LBB2_6:
0x75: {  	p1 =	sgt.u32 s0, $0x7A  }
.Ltmp7:
0x76: {  	_ = 	snop;
	(pc) =	sbr.rel @p1 .LBB2_8-.Ltmp7, $4  }
.Ltmp8:
0x77: {  	_ = 	snop;
	(pc) =	sbr.rel @!p1 .LBB2_7-.Ltmp8, $4  }
0x78: {  	_ = 	snop  }
0x79: {  	_ = 	snop  }
0x7a: {  	_ = 	snop  }
0x7b: {  	_ = 	snop  }
.LBB2_10:
0x7c: {  	_ =	sfence.sel $0x180000  }
0x7d: {  	[bflag:$0x0] =	sbarrier.arrive $0xFFFF  }
0x7e: {  	_ =	strace $0x9000004D  }
0x7f: {  	s0 =	stileid.u32;
	[bflag:$0x2] =	sbarrier.arrive $0xFFFF  }
0x80: {  	p0 =	sne.s32 s0, $0x0;
	s0 =	rddreg [dreg:$0x3]  }
0x81: {  	s0 =	sadd.s32 @!p0 $0x100000, s0  }
0x82: {  	[sflag:s0] =	ssyncadd.tile.s32 @!p0 $0x1;
	_ =	shalt  }
.Lfunc_end2:
_tile_overlayer_lowered:
.L_overlay_start_2:
0x83: {  	(tag) =	ssettag $0x2  }
0x84: {  	s0 =	rddreg [dreg:$0x0];
	s2 =	stileid.u32  }
0x85: {  	s1 =	rddreg [dreg:$0x1];
	p0 =	sne.s32 s2, $0x0  }
0x86: {  	s3 =	rddreg [dreg:$0x2];
	[bflag:$0x3] =	sbarrier.arrive $0xFFFF;
	s2 =	simm.s32 @!p0 $0x1C03  }
0x87: {  	[timem:s3], [sflag:s2] =	dma.local @!p0 [hbm:s0], s1  }
0x88: {  	s0 =	simm.s32 @!p0 $0x3  }
0x89: {  	_ =	swait.ge @!p0 [sflag:s0], s1  }
0x8a: {  	s1 =	ssub.s32 @!p0 $0x0, s1;
	[sflag:s0] =	ssyncset.done @!p0 $0x0  }
0x8b: {  	[sflag:s0] =	ssyncadd.s32 @!p0 s1  }
0x8c: {  	[bflag:$0x3] =	sbarrier.arrive $0xFFFF  }
0x8d: {  	_ =	shalt  }

// kernel: kernel.8.cloned.1.call-start
scs
__scs_entry_jumppad:
0x0: {  	(pc) =	sbr.rel $0x88, $3  }
0x1: {  	(tag) =	ssettag $0x0;
	lr =	simm.s32 $0x1  }
0x2: {  	[smem:$0x3F9B] =	sst lr;
	_ =	strace $0xD0000000  }
0x3: {  	_ = 	snop  }
0x4: {  	_ = 	snop  }
0x5: {  	_ = 	snop  }
0x6: {  	_ = 	snop  }
0x7: {  	_ = 	snop  }
__scs_overlays_trampoline_lowered:
0x8: {  	[smem:$0x3FAA] =	sst s0  }
0x9: {  	[smem:$0x3FAB] =	sst s1  }
0xa: {  	[smem:$0x3FAC] =	sst s2  }
0xb: {  	[smem:$0x3FAD] =	sst s3  }
0xc: {  	[smem:$0x3FAE] =	sst s4  }
0xd: {  	[smem:$0x3FAF] =	sst s5  }
0xe: {  	[smem:$0x3FB0] =	sst s6  }
0xf: {  	[smem:$0x3FB1] =	sst s7  }
0x10: {  	[smem:$0x3FB2] =	sst s8  }
0x11: {  	[smem:$0x3FB3] =	sst s9;
	s0 =	simm.s32 @!p0 $0x0  }
0x12: {  	s1 =	sld [smem:$0x3F99];
	s0 =	simm.s32 @p0 $0x1  }
0x13: {  	[smem:$0x3FB4] =	sst s0;
	s0 =	simm.s32 @!p1 $0x0  }
0x14: {  	s2 =	sld [smem:$0x3F98];
	s0 =	simm.s32 @p1 $0x1  }
0x15: {  	[smem:$0x3FB5] =	sst s0;
	s0 =	simm.s32 @!p2 $0x0  }
0x16: {  	s3 =	sld [smem:$0x3FDB];
	s0 =	simm.s32 @p2 $0x1  }
0x17: {  	s4 =	simm.s32 $0x1BF5;
	[smem:$0x3FB7] =	sst s0  }
0x18: {  	s0 =	sld [smem:$0x3F9A];
	_ =	swait.ge [sflag:s4], $0x0  }
0x19: {  	s7 =	sld [smem:$0x3F9B]  }
0x1a: {  	s8 =	sadd.s32 $0xFFFFE003, lr  }
0x1b: {  	s9 =	sadd.s32 $0xFFFFFEF7, lr;
	s5 =	simm.s32 $0xFFFFFFFF;
	p2 =	slt.u32 s8, $0xFFFFF086  }
0x1c: {  	p1 =	slt.u32 s9, $0xF7A;
	s5 =	simm.s32 @!p2 $0x0  }
0x1d: {  	s5 =	simm.s32 @p1 $0x1;
	p0 =	seq.s32 s7, s2  }
0x1e: {  	s7 =	smul.u32 @!p0 $0xF7A, s2;
	p2 =	seq.s32 @!p0 s5, $0x0  }
0x1f: {  	s9 =	smul.u32 $0xF7A, s1;
	s8 =	simm.s32 @!p0 $0x1BF5;
	p2 =	por !p2, p0  }
0x20: {  	[sflag:s8] =	ssyncset.s32 @!p0 $0xFFFFF086;
	s6 =	sadd.s32 @!p0 s3, s7;
	s7 =	simm.s32 @!p0 $0x108  }
0x21: {  	s3 =	sadd.s32 s3, s9;
	s6 =	sadd.s32 @!p0 $0x88, s6;
	s7 =	simm.s32 @p2 $0x1082  }
0x22: {  	[simem:s7], [sflag:s8] =	dma.local @!p0 [hbm:s6], $0xF7A  }
0x23: {  	s9 =	sor.u32 $0xD0000000, s2;
	s6 =	simm.s32 $0x108;
	_ =	swait.ge @!p0 [sflag:s8], $0x0  }
0x24: {  	s3 =	sadd.s32 $0x88, s3;
	s6 =	simm.s32 @!p1 $0x1082;
	[sflag:s4] =	ssyncset.s32 $0xFFFFF086  }
0x25: {  	[simem:s6], [sflag:s4] =	dma.local [hbm:s3], $0xF7A  }
0x26: {  	[smem:$0x3F9B] =	sst s1;
	(tag) =	ssettag s2;
	_ =	strace s9  }
0x27: {  	s1 =	sld [smem:$0x3FAB]  }
0x28: {  	s2 =	sld [smem:$0x3FAC]  }
0x29: {  	s4 =	sld [smem:$0x3FAE]  }
0x2a: {  	p0 =	seq.s32 s5, $0x0;
	s5 =	sld [smem:$0x3FAF]  }
0x2b: {  	s6 =	sld [smem:$0x3FB0]  }
0x2c: {  	s7 =	sld [smem:$0x3FB1]  }
0x2d: {  	s3 =	simm.s32 $0x108;
	s8 =	sld [smem:$0x3FB2]  }
0x2e: {  	s3 =	simm.s32 @!p0 $0x1082;
	s9 =	sld [smem:$0x3FB3]  }
0x2f: {  	lr =	sadd.s32 s0, s3;
	s0 =	sld [smem:$0x3FAA]  }
0x30: {  	s3 =	sld [smem:$0x3FAD]  }
0x31: {  	[smem:$0x3FB6] =	sst s10  }
0x32: {  	s10 =	sld [smem:$0x3FB4];
	_ =	sdelay $0x3  }
0x33: {  	p0 =	seq.s32 s10, $0x1;
	s10 =	sld [smem:$0x3FB6];
	_ =	sdelay $0x3  }
0x34: {  	[smem:$0x3FB6] =	sst s10  }
0x35: {  	s10 =	sld [smem:$0x3FB5];
	_ =	sdelay $0x3  }
0x36: {  	p1 =	seq.s32 s10, $0x1;
	s10 =	sld [smem:$0x3FB6];
	_ =	sdelay $0x3  }
0x37: {  	[smem:$0x3FB6] =	sst s10  }
0x38: {  	s10 =	sld [smem:$0x3FB7]  }
0x39: {  	_ = 	snop;
	(pc) =	sbr.ind lr, $3  }
0x3a: {  	_ = 	snop  }
0x3b: {  	_ = 	snop  }
0x3c: {  	p2 =	seq.s32 s10, $0x1;
	s10 =	sld [smem:$0x3FB6]  }
0x3d: {  	_ =	shalt  }
0x3e: {  	_ =	shalt  }
0x3f: {  	_ =	shalt  }
0x40: {  	_ =	shalt  }
0x41: {  	_ =	shalt  }
0x42: {  	_ =	shalt  }
0x43: {  	_ =	shalt  }
0x44: {  	_ =	shalt  }
0x45: {  	_ =	shalt  }
0x46: {  	_ =	shalt  }
0x47: {  	_ =	shalt  }
0x48: {  	_ =	shalt  }
0x49: {  	_ =	shalt  }
0x4a: {  	_ =	shalt  }
0x4b: {  	_ =	shalt  }
0x4c: {  	_ =	shalt  }
0x4d: {  	_ =	shalt  }
0x4e: {  	_ =	shalt  }
0x4f: {  	_ =	shalt  }
0x50: {  	_ =	shalt  }
0x51: {  	_ =	shalt  }
0x52: {  	_ =	shalt  }
0x53: {  	_ =	shalt  }
0x54: {  	_ =	shalt  }
0x55: {  	_ =	shalt  }
0x56: {  	_ =	shalt  }
0x57: {  	_ =	shalt  }
0x58: {  	_ =	shalt  }
0x59: {  	_ =	shalt  }
0x5a: {  	_ =	shalt  }
0x5b: {  	_ =	shalt  }
0x5c: {  	_ =	shalt  }
0x5d: {  	_ =	shalt  }
0x5e: {  	_ =	shalt  }
0x5f: {  	_ =	shalt  }
0x60: {  	_ =	shalt  }
0x61: {  	_ =	shalt  }
0x62: {  	_ =	shalt  }
0x63: {  	_ =	shalt  }
0x64: {  	_ =	shalt  }
0x65: {  	_ =	shalt  }
0x66: {  	_ =	shalt  }
0x67: {  	_ =	shalt  }
0x68: {  	_ =	shalt  }
0x69: {  	_ =	shalt  }
0x6a: {  	_ =	shalt  }
0x6b: {  	_ =	shalt  }
0x6c: {  	_ =	shalt  }
0x6d: {  	_ =	shalt  }
0x6e: {  	_ =	shalt  }
0x6f: {  	_ =	shalt  }
0x70: {  	_ =	shalt  }
0x71: {  	_ =	shalt  }
0x72: {  	_ =	shalt  }
0x73: {  	_ =	shalt  }
0x74: {  	_ =	shalt  }
0x75: {  	_ =	shalt  }
0x76: {  	_ =	shalt  }
0x77: {  	_ =	shalt  }
0x78: {  	_ =	shalt  }
0x79: {  	_ =	shalt  }
0x7a: {  	_ =	shalt  }
0x7b: {  	_ =	shalt  }
0x7c: {  	_ =	shalt  }
0x7d: {  	_ =	shalt  }
0x7e: {  	_ =	shalt  }
0x7f: {  	_ =	shalt  }
0x80: {  	_ =	shalt  }
0x81: {  	_ =	shalt  }
0x82: {  	_ =	shalt  }
0x83: {  	_ =	shalt  }
0x84: {  	_ =	shalt  }
0x85: {  	_ =	shalt  }
0x86: {  	_ =	shalt  }
0x87: {  	_ =	shalt  }
.Lfunc_end0:
.L_simem_size_0:
called_computation_lowered:
.L_overlay_start_0:
0x88: {  	s2 =	sld [smem:$0x3FD9]  }
0x89: {  	s3 =	sld [smem:$0x3FFE];
	_ =	sdelay $0x1  }
0x8a: {  	s1 =	srdreg.scid  }
0x8b: {  	s0 =	sand.u32 $0x1, s1  }
0x8c: {  	s16 =	sshll.u32 s0, $0xA;
	s2 =	sadd.s32 s3, s2  }
0x8d: {  	s2 =	sadd.s32 s2, s16  }
0x8e: {  	[smem:$0x3FC2] =	sst s2  }
0x8f: {  	_ = 	snop  }
0x90: {  	(tm) =	ssettm $0x1  }
0x91: {  	s17 =	sld [smem:$0x3FFB];
	_ =	sdelay $0x3  }
0x92: {  	_ =	strace s17  }
0x93: {  	s2 =	sld [smem:$0x3FFC];
	_ =	sdelay $0x3  }
0x94: {  	_ =	strace s2  }
0x95: {  	s2 =	sld [smem:$0x3FFD];
	_ =	sdelay $0x3  }
0x96: {  	_ =	strace s2  }
0x97: {  	_ =	strace $0x8FFFFFFF  }
0x98: {  	s18 =	sld [smem:$0x3FDB];
	_ =	sdelay $0x1  }
0x99: {  	s19 =	simm.s32 $_scs_section_size  }
0x9a: {  	s4 =	simm.s32 $_size__tile_overlayer_lowered;
	s5 =	simm.s32 $_tile_overlayer_lowered  }
0x9b: {  	s22 =	simm.s32 $0x1BFF;
	s21 =	sshll.u32 s5, $0x1;
	s2 =	sadd.s32 s19, s18  }
0x9c: {  	s6 =	simm.s32 $0x0;
	s20 =	sshll.u32 s4, $0x1;
	s4 =	sadd.s32 s21, s2  }
0x9d: {  	[timem:s6], [sflag:s22] =	dma.local [hbm:s4], s20  }
0x9e: {  	_ =	swait.ge [sflag:s22], s20  }
0x9f: {  	s3 =	ssub.s32 $0x0, s20;
	[sflag:s22] =	ssyncset.done $0x0  }
0xa0: {  	[sflag:s22] =	ssyncadd.s32 s3;
	_ =	sdelay $0x1  }
0xa1: {  	s23 =	simm.s32 $0x1B8B  }
0xa2: {  	_ =	swait.ge [sflag:s23], $0x1  }
0xa3: {  	[sflag:s23] =	ssyncset.done $0x0  }
0xa4: {  	s25 =	simm.s32 $0x1B8E;
	s24 =	sld [smem:$0x3FFE];
	[sflag:s23] =	ssyncadd.s32 $0xFFFFFFFF  }
0xa5: {  	s26 =	simm.s32 $execute0_lowered;
	[smem:$0x3FD2] =	sst s25  }
0xa6: {  	s4 =	sshll.u32 s26, $0x1;
	_ =	strace $0x80000046;
	[dreg:$0x1] =	wrdreg $0xFFFFFFFF  }
0xa7: {  	s28 =	simm.s32 $_size_execute0_lowered;
	s2 =	sadd.s32 s2, s4;
	[dreg:$0x0] =	wrdreg $0x0  }
0xa8: {  	s4 =	sshll.u32 s28, $0x1;
	[dreg:$0x2] =	wrdreg s2  }
0xa9: {  	[dreg:$0x3] =	wrdreg s4  }
0xaa: {  	[dreg:$0x4] =	wrdreg $0xC0  }
0xab: {  	_ =	task [dreg:s6], $0x5FFFF  }
0xac: {  	[dreg:$0x1] =	wrdreg $0xFFFFFFFF  }
0xad: {  	[dreg:$0x0] =	wrdreg $0x60  }
0xae: {  	[dreg:$0x2] =	wrdreg s24  }
0xaf: {  	[dreg:$0x3] =	wrdreg $0x68000  }
0xb0: {  	[dreg:$0x4] =	wrdreg $0x9  }
0xb1: {  	_ =	task.clear_ibuf [dreg:s6], $0x5FFFF;
	_ =	strace $0x90000046  }
0xb2: {  	s29 =	simm.s32 $0x9;
	_ =	strace $0x80000048  }
0xb3: {  	_ =	swait.ge [sflag:s29], $0x1  }
0xb4: {  	[sflag:s29] =	ssyncadd.s32 $0xFFFFFFFF  }
0xb5: {  	_ =	strace $0x90000048  }
0xb6: {  	_ =	sfence  }
0xb7: {  	s30 =	sld [smem:$0x0];
	_ =	sdelay $0x2  }
0xb8: {  	s31 =	sshll.u32 s1, $0xD;
	s1 =	sshrl.u32 s1, $0x2  }
0xb9: {  	s3 =	sand.u32 $0x4000, s31;
	s1 =	sadd.s32 s1, s30  }
0xba: {  	s0 =	sor.u32 s3, s0;
	s1 =	sshll.u32 s1, $0x11  }
0xbb: {  	s0 =	sor.u32 s1, s0  }
0xbc: {  	s0 =	sadd.s32 $0x8F2B, s0  }
0xbd: {  	[sflag:s0] =	ssyncadd.remote.s32 $0x1  }
0xbe: {  	_ =	sfence.sel $0xFFFF  }
0xbf: {  	[dreg:$0x0] =	wrdreg $0xFFFFFFFF;
	(pc) =	sbr.abs _section_cstart, $3  }
0xc0: {  	[dreg:$0x1] =	wrdreg $0xFFFFFFFF  }
0xc1: {  	_ =	task.clear_ibuf [dreg:s6], $0x2FFFF;
	_ =	strace $0x9FFFFFFF  }
0xc2: {  	(tm) =	ssettm $0x7FFFFFFF  }
0xc3: {  	_ =	shalt  }
tec
execute0_lowered:
.L_overlay_start_1:
0x0: {  	(tag) =	ssettag $0x1  }
0x1: {  	s6 =	rddreg [dreg:$0x0]  }
0x2: {  	s1 =	rddreg [dreg:$0x1]  }
0x3: {  	s3 =	srdreg.scid;
	s0 =	rddreg [dreg:$0x2]  }
0x4: {  	s2 =	simm.s32 $0x0;
	s15 =	simm.s32 $0x50;
	s16 =	simm.s32 $0x1  }
0x5: {  	s17 =	simm.s32 $0x0;
	s7 =	sand.u32 $0x1, s3;
	[smem:$0x7FF] =	sst s2  }
0x6: {  	s4 =	sadd.s32 $0x12C00, s6;
	s5 =	sadd.s32 $0x12600, s6;
	s12 =	sadd.s32 $0x15400, s6  }
0x7: {  	s14 =	sadd.s32 $0x12C000, s1;
	s3 =	sshll.u32 s7, $0xB;
	s9 =	ssub.s32 $0x2, s7  }
0x8: {  	s7 =	smul.u32 $0x138800, s7;
	s8 =	sadd.s32 s3, s6;
	s3 =	stileid.u32  }
0x9: {  	_ =	strace $0x80000047;
	s10 =	sshrl.u32 s9, $0x1;
	s11 =	smul.u32 $0x50000, s3  }
0xa: {  	s9 =	ssub.s32 s9, s10;
	s26 =	sshll.u32 s3, $0xC;
	s28 =	smul.u32 $0x14000, s3  }
0xb: {  	p0 =	seq.s32 s3, $0xF;
	s29 =	sadd.s32 s26, s8;
	s9 =	smax.u32 s9, $0x1  }
0xc: {  	s10 =	sshrl.u32 @p0 s14, $0x3;
	s14 =	simm.s32 $0x2;
	s25 =	sshrl.u32 s11, $0x2  }
0xd: {  	s6 =	sadd.s32 $0x2600, s29;
	s30 =	sadd.s32 s28, s7;
	s7 =	sshrl.u32 s7, $0x3  }
0xe: {  	s11 =	sshll.u32 @!p0 s3, $0x6;
	s13 =	sadd.s32 s25, s1;
	s8 =	sshrl.u32 s30, $0x3  }
0xf: {  	s31 =	sadd.s32 s12, s7;
	s11 =	sor.u32 @!p0 $0x1C02, s11;
	s7 =	sadd.s32 s12, s8  }
0x10: {  	s8 =	sadd.s32 $0x25800, s31;
	s12 =	sshrl.u32 @!p0 s13, $0x3;
	s13 =	simm.s32 $0x4000  }
.LBB2_1:
0x11: {  	s18 =	simm.s32 @p0 $0x1FC2  }
0x12: {  	[spmem:s10], [sflag:s18] =	dma.local @p0 [hbm:s4], $0x1900  }
0x13: {  	s18 =	simm.s32 @p0 $0x2  }
0x14: {  	_ =	swait.ge @p0 [sflag:s18], $0x1900  }
0x15: {  	[sflag:s18] =	ssyncset.done @p0 $0x0  }
0x16: {  	[sflag:s18] =	ssyncadd.s32 @p0 $0xFFFFE700;
	s18 =	simm.s32 @!p0 $0x2  }
0x17: {  	[spmem:s12], [sflag:s11] =	dma.local @!p0 [hbm:s4], $0x2800  }
0x18: {  	_ =	swait.ge @!p0 [sflag:s18], $0x2800  }
0x19: {  	[sflag:s18] =	ssyncset.done @!p0 $0x0  }
0x1a: {  	[sflag:s18] =	ssyncadd.s32 @!p0 $0xFFFFD800  }
0x1b: {  	[tilespmem:s13], [sflag:$0x2] =	stream.linear.gather [hbm4b:s5+s2], $0x2800, $0x38;
	[tilespmem:$0x1A080] =	vst v63  }
0x1c: {  	_ =	swait.ge [sflag:s14], $0x2800  }
0x1d: {  	[sflag:s14] =	ssyncset.done $0x0  }
0x1e: {  	[sflag:s14] =	ssyncadd.s32 $0xFFFFD800  }
0x1f: {  	[tilespmem:s2], [sflag:$0x2] =	stream.linear.gather [hbm4b:s6+s2], $0x3E80, $0x38;
	[tilespmem:$0x1A080] =	vst v63  }
0x20: {  	_ =	swait.ge [sflag:s14], $0x3E80  }
0x21: {  	[sflag:s14] =	ssyncset.done $0x0  }
0x22: {  	p1 =	por $0x1, $0x1;
	[sflag:s14] =	ssyncadd.s32 $0xFFFFC180  }
0x23: {  	s20 =	simm.s32 @!p1 $0x1;
	[bflag:$0x0] =	sbarrier.arrive $0xFFFF  }
0x24: {  	[spmem:s1] =	stream.indirect.scatter.add.f32 [tilespmem:s13], [sflag:$0x1], $0x80, s2, s15, $0xb8;
	[tilespmem:$0x1A080] =	vst v63  }
0x25: {  	_ =	swait.ge @!p1 [sflag:s20], $0x2800  }
0x26: {  	s19 =	simm.s32 $0x0;
	s18 =	simm.s32 $0x1;
	[sflag:s20] =	ssyncset.done @!p1 $0x0  }
.LBB2_2:
0x27: {  	[sflag:s20] =	ssyncadd.s32 @!p1 $0xFFFFD800  }
0x28: {  	s19 =	sadd.s32 $0x80, s19;
	s20 =	smov.u32 s18;
	s18 =	sadd.s32 $0x1, s18  }
0x29: {  	p2 =	sne.s32 s18, $0x7D  }
0x2a: {  	[spmem:s1] =	stream.indirect.scatter.add.f32 [tilespmem:s13], [sflag:$0x1], $0x80, s19, s15, $0xb8;
	[tilespmem:$0x1A080] =	vst v63  }
.Ltmp0:
0x2b: {  	_ = 	snop;
	(pc) =	sbr.rel @p2 .LBB2_2-.Ltmp0, $4  }
0x2c: {  	p1 =	slt.u32 s20, $0x8  }
0x2d: {  	s20 =	simm.s32 @!p1 $0x1  }
0x2e: {  	_ =	swait.ge @!p1 [sflag:s20], $0x2800  }
0x2f: {  	[sflag:s20] =	ssyncset.done @!p1 $0x0  }
0x30: {  	[sflag:s20] =	ssyncadd.s32 @!p1 $0xFFFFD800  }
0x31: {  	_ =	swait.ge [sflag:s16], $0x2800  }
0x32: {  	[sflag:s16] =	ssyncset.done $0x0  }
0x33: {  	[sflag:s16] =	ssyncadd.s32 $0xFFFFD800  }
0x34: {  	_ =	swait.ge [sflag:s16], $0x2800  }
0x35: {  	[sflag:s16] =	ssyncset.done $0x0  }
0x36: {  	[sflag:s16] =	ssyncadd.s32 $0xFFFFD800  }
0x37: {  	_ =	swait.ge [sflag:s16], $0x2800  }
0x38: {  	[sflag:s16] =	ssyncset.done $0x0  }
0x39: {  	[sflag:s16] =	ssyncadd.s32 $0xFFFFD800  }
0x3a: {  	_ =	swait.ge [sflag:s16], $0x2800  }
0x3b: {  	[sflag:s16] =	ssyncset.done $0x0  }
0x3c: {  	[sflag:s16] =	ssyncadd.s32 $0xFFFFD800  }
0x3d: {  	_ =	swait.ge [sflag:s16], $0x2800  }
0x3e: {  	[sflag:s16] =	ssyncset.done $0x0  }
0x3f: {  	[sflag:s16] =	ssyncadd.s32 $0xFFFFD800  }
0x40: {  	_ =	swait.ge [sflag:s16], $0x2800  }
0x41: {  	[sflag:s16] =	ssyncset.done $0x0  }
0x42: {  	[sflag:s16] =	ssyncadd.s32 $0xFFFFD800  }
0x43: {  	_ =	swait.ge [sflag:s16], $0x2800  }
0x44: {  	[sflag:s16] =	ssyncset.done $0x0  }
0x45: {  	[sflag:s16] =	ssyncadd.s32 $0xFFFFD800  }
0x46: {  	_ =	swait.ge [sflag:s16], $0x2800  }
0x47: {  	[sflag:s16] =	ssyncset.done $0x0  }
0x48: {  	[sflag:s16] =	ssyncadd.s32 $0xFFFFD800  }
0x49: {  	s18 =	simm.s32 @p0 $0x1FC2;
	[bflag:$0x0] =	sbarrier.arrive $0xFFFF  }
0x4a: {  	[hbm:s8], [sflag:s18] =	dma.local @p0 [spmem:s10], $0x1900  }
0x4b: {  	s18 =	simm.s32 @p0 $0x2  }
0x4c: {  	s17 =	sadd.s32 $0x1, s17;
	_ =	swait.ge @p0 [sflag:s18], $0x1900  }
0x4d: {  	p1 =	sne.s32 s17, s9;
	[sflag:s18] =	ssyncset.done @p0 $0x0  }
.Ltmp1:
0x4e: {  	[sflag:s18] =	ssyncadd.s32 @p0 $0xFFFFE700;
	s18 =	simm.s32 @!p0 $0x2;
	(pc) =	sbr.rel @p1 .LBB2_1-.Ltmp1, $4  }
0x4f: {  	[hbm:s7], [sflag:s11] =	dma.local @!p0 [spmem:s12], $0x2800  }
0x50: {  	_ =	swait.ge @!p0 [sflag:s18], $0x2800  }
0x51: {  	[sflag:s18] =	ssyncset.done @!p0 $0x0  }
0x52: {  	[sflag:s18] =	ssyncadd.s32 @!p0 $0xFFFFD800  }
0x53: {  	_ =	sfence.sel $0x180000  }
0x54: {  	[bflag:$0x0] =	sbarrier.arrive $0xFFFF  }
0x55: {  	p0 =	sne.s32 s3, $0x0;
	_ =	strace $0x90000047  }
0x56: {  	s0 =	sadd.s32 @!p0 $0x100000, s0;
	[bflag:$0x2] =	sbarrier.arrive $0xFFFF  }
0x57: {  	[sflag:s0] =	ssyncadd.tile.s32 @!p0 $0x1;
	_ =	shalt  }
.Lfunc_end2:
_tile_overlayer_lowered:
.L_overlay_start_2:
0x58: {  	(tag) =	ssettag $0x2  }
0x59: {  	s0 =	rddreg [dreg:$0x0];
	s2 =	stileid.u32  }
0x5a: {  	s1 =	rddreg [dreg:$0x1];
	p0 =	sne.s32 s2, $0x0  }
0x5b: {  	s3 =	rddreg [dreg:$0x2];
	[bflag:$0x3] =	sbarrier.arrive $0xFFFF;
	s2 =	simm.s32 @!p0 $0x1C02  }
0x5c: {  	[timem:s3], [sflag:s2] =	dma.local @!p0 [hbm:s0], s1  }
0x5d: {  	s0 =	simm.s32 @!p0 $0x2  }
0x5e: {  	_ =	swait.ge @!p0 [sflag:s0], s1  }
0x5f: {  	s1 =	ssub.s32 @!p0 $0x0, s1;
	[sflag:s0] =	ssyncset.done @!p0 $0x0  }
0x60: {  	[sflag:s0] =	ssyncadd.s32 @!p0 s1  }
0x61: {  	[bflag:$0x3] =	sbarrier.arrive $0xFFFF  }
0x62: {  	_ =	shalt  }

</sc_bundles>
